<compile_context>
chip_gen: v7x
topology: tpu7x:2x2x1
jax: 0.10.2.dev20260603
libtpu: 0.0.44.dev20260713+nightly
codegen_flags: <defaults>
</compile_context>

<pallas_src>
import functools

import jax
import jax.numpy as jnp
from jax import lax
from jax.experimental import pallas as pl
from jax.experimental.pallas import tpu as pltpu
from jax.experimental.pallas import tpu_sc as plsc

N = 10000
E = 320000
D_IN = 128
D1 = 256
D2 = 128

NC = 2
NS = 16
NW = NC * NS

N_PAD = 10240
ROWS_PER_TILE = N_PAD // NS
CHUNK = 128
E_PAD = 327680
CHUNKS_PER_TILE = E_PAD // (NW * CHUNK)
DEG_W = 128

_mesh = plsc.VectorSubcoreMesh(
    core_axis_name="c", subcore_axis_name="s", num_cores=NC, num_subcores=NS)


@functools.partial(
    pl.kernel,
    out_type=jax.ShapeDtypeStruct((NW, ROWS_PER_TILE, DEG_W), jnp.float32),
    mesh=_mesh,
    scratch_types=[
        pltpu.VMEM((CHUNKS_PER_TILE, CHUNK), jnp.int32),
        pltpu.VMEM((CHUNK, DEG_W), jnp.float32),
        pltpu.VMEM_SHARED((N_PAD, DEG_W), jnp.float32),
        pltpu.SemaphoreType.DMA,
    ],
)
def _sc_degree(dst_hbm, zeros_hbm, ones_hbm, out_hbm, dst_v, ones_v, deg_sh,
               ssem):
    cid = lax.axis_index("c")
    sid = lax.axis_index("s")
    wid = sid * NC + cid
    nbase = sid * ROWS_PER_TILE
    pltpu.sync_copy(dst_hbm.at[pl.ds(wid * CHUNKS_PER_TILE, CHUNKS_PER_TILE)],
                    dst_v)
    pltpu.sync_copy(ones_hbm, ones_v)
    pltpu.sync_copy(zeros_hbm.at[pl.ds(nbase, ROWS_PER_TILE)],
                    deg_sh.at[pl.ds(nbase, ROWS_PER_TILE)])
    plsc.subcore_barrier()

    @pl.loop(0, CHUNKS_PER_TILE)
    def _(j):
        pltpu.async_copy(ones_v, deg_sh.at[dst_v.at[j]], ssem, add=True)

    @pl.loop(0, CHUNKS_PER_TILE)
    def _(j):
        pltpu.make_async_copy(ones_v, deg_sh.at[dst_v.at[j]], ssem).wait()

    plsc.subcore_barrier()
    pltpu.sync_copy(deg_sh.at[pl.ds(nbase, ROWS_PER_TILE)], out_hbm.at[wid])


def _scale_body(deg_ref, x_ref, dis_ref, y_ref):
    d = deg_ref[0, 0, :, 0:1] + deg_ref[0, 1, :, 0:1] + 1.0
    di = lax.rsqrt(d)
    dis_ref[...] = di
    y_ref[...] = x_ref[...] * di


def _tc_scale(deg4, x_pad):
    return pl.pallas_call(
        _scale_body,
        grid=(NS,),
        in_specs=[
            pl.BlockSpec((1, NC, ROWS_PER_TILE, DEG_W), lambda i: (i, 0, 0, 0)),
            pl.BlockSpec((ROWS_PER_TILE, D_IN), lambda i: (i, 0)),
        ],
        out_specs=[
            pl.BlockSpec((ROWS_PER_TILE, 1), lambda i: (i, 0)),
            pl.BlockSpec((ROWS_PER_TILE, D_IN), lambda i: (i, 0)),
        ],
        out_shape=[
            jax.ShapeDtypeStruct((N_PAD, 1), jnp.float32),
            jax.ShapeDtypeStruct((N_PAD, D_IN), jnp.float32),
        ],
    )(deg4, x_pad)


GCH = 128
NCHUNKS = E_PAD // GCH
NBUF = 2
GIB = 16
G0 = 80
G1 = NCHUNKS // NS - G0


@functools.partial(
    pl.kernel,
    out_type=jax.ShapeDtypeStruct((NW, ROWS_PER_TILE, D_IN), jnp.float32),
    mesh=_mesh,
    scratch_types=[
        pltpu.VMEM((GIB, GCH), jnp.int32),
        pltpu.VMEM((GIB, GCH), jnp.int32),
        [pltpu.VMEM((GCH, D_IN), jnp.float32) for _ in range(NBUF)],
        pltpu.VMEM_SHARED((N_PAD, D_IN), jnp.float32),
        [pltpu.SemaphoreType.DMA for _ in range(NBUF)],
        [pltpu.SemaphoreType.DMA for _ in range(NBUF)],
    ],
)
def _sc_aggregate(src_hbm, dst_hbm, y_hbm, zeros_hbm, out_hbm,
                  src_b, dst_b, bufs, s_sh, sems, ssems):
    cid = lax.axis_index("c")
    sid = lax.axis_index("s")
    wid = sid * NC + cid
    ebase = jnp.where(cid == 0, sid * G0, NS * G0 + sid * G1)
    nrefill = jnp.where(cid == 0, G0 // GIB, G1 // GIB)
    nbase = sid * ROWS_PER_TILE
    with jax.named_scope("agg_init"):
        pltpu.sync_copy(zeros_hbm.at[pl.ds(nbase, ROWS_PER_TILE)],
                        s_sh.at[pl.ds(nbase, ROWS_PER_TILE)])
        plsc.subcore_barrier()

    with jax.named_scope("agg_edges"):
        @pl.loop(0, nrefill)
        def _(b):
            cbase = ebase + b * GIB
            pltpu.sync_copy(src_hbm.at[pl.ds(cbase, GIB)], src_b)
            pltpu.sync_copy(dst_hbm.at[pl.ds(cbase, GIB)], dst_b)
            for k in range(NBUF - 1):
                pltpu.async_copy(y_hbm.at[src_b.at[k]], bufs[k], sems[k])

            @pl.loop(0, GIB // NBUF)
            def _(t):
                for k in range(NBUF):
                    j = NBUF * t + k
                    jn = j + NBUF - 1
                    kn = (k + NBUF - 1) % NBUF

                    @pl.when(jn < GIB)
                    def _():
                        @pl.when(jn >= NBUF)
                        def _():
                            pltpu.make_async_copy(
                                bufs[kn], s_sh.at[dst_b.at[jn - NBUF]],
                                ssems[kn]).wait()

                        pltpu.async_copy(y_hbm.at[src_b.at[jn]], bufs[kn],
                                         sems[kn])

                    pltpu.make_async_copy(y_hbm.at[src_b.at[j]], bufs[k],
                                          sems[k]).wait()
                    pltpu.async_copy(bufs[k], s_sh.at[dst_b.at[j]], ssems[k],
                                     add=True)

            for k in range(NBUF):
                pltpu.make_async_copy(bufs[k], s_sh.at[dst_b.at[k]],
                                      ssems[k]).wait()

    with jax.named_scope("agg_drain"):
        plsc.subcore_barrier()
        pltpu.sync_copy(s_sh.at[pl.ds(nbase, ROWS_PER_TILE)], out_hbm.at[wid])


def _mlp_body(s_ref, y_ref, dis_ref, wc_ref, bc_ref, w1_ref, b1_ref,
              w2_ref, b2_ref, out_ref):
    z = (s_ref[0, 0] + s_ref[0, 1] + y_ref[...]) * dis_ref[...]
    h = jnp.dot(z, wc_ref[...], preferred_element_type=jnp.float32,
                precision=lax.Precision.DEFAULT) + bc_ref[...]
    h = jnp.maximum(h, 0.0)
    h = jnp.dot(h, w1_ref[...], preferred_element_type=jnp.float32,
                precision=lax.Precision.DEFAULT) + b1_ref[...]
    h = jnp.maximum(h, 0.0)
    out_ref[...] = jnp.dot(h, w2_ref[...], preferred_element_type=jnp.float32,
                           precision=lax.Precision.DEFAULT) + b2_ref[...]


def _tc_mlp(s4, y, dis, W_conv, b_conv, W_fc1, b_fc1, W_fc2, b_fc2):
    full = lambda shape: pl.BlockSpec(shape, lambda i: tuple(0 for _ in shape))
    return pl.pallas_call(
        _mlp_body,
        grid=(NS,),
        in_specs=[
            pl.BlockSpec((1, NC, ROWS_PER_TILE, D_IN), lambda i: (i, 0, 0, 0)),
            pl.BlockSpec((ROWS_PER_TILE, D_IN), lambda i: (i, 0)),
            pl.BlockSpec((ROWS_PER_TILE, 1), lambda i: (i, 0)),
            full((D_IN, D1)),
            full((1, D1)),
            full((D1, D2)),
            full((1, D2)),
            full((D2, D_IN)),
            full((1, D_IN)),
        ],
        out_specs=pl.BlockSpec((ROWS_PER_TILE, D_IN), lambda i: (i, 0)),
        out_shape=jax.ShapeDtypeStruct((N, D_IN), jnp.float32),
    )(s4, y, dis, W_conv, b_conv, W_fc1, b_fc1, W_fc2, b_fc2)


def kernel(x, edge_index, W_conv, b_conv, W_fc1, b_fc1, W_fc2, b_fc2):
    ei = edge_index.astype(jnp.int32)
    pad_e = E_PAD - E
    src = jnp.concatenate(
        [ei[0], (jnp.arange(pad_e, dtype=jnp.int32) * 32) % N])
    dst = jnp.concatenate([ei[1], jnp.full((pad_e,), N_PAD - 1, jnp.int32)])
    dst2d = dst.reshape(-1, CHUNK)
    src2g = src.reshape(-1, GCH)
    dst2g = dst.reshape(-1, GCH)
    x_pad = jnp.concatenate(
        [x, jnp.zeros((N_PAD - N, D_IN), jnp.float32)], axis=0)

    zeros_nd = jnp.zeros((N_PAD, D_IN), jnp.float32)
    ones_w = jnp.ones((CHUNK, DEG_W), jnp.float32)
    deg_parts = _sc_degree(dst2d, zeros_nd, ones_w)
    deg4 = deg_parts.reshape(NS, NC, ROWS_PER_TILE, DEG_W)

    dis, y = _tc_scale(deg4, x_pad)

    s_parts = _sc_aggregate(src2g, dst2g, y, zeros_nd)
    s4 = s_parts.reshape(NS, NC, ROWS_PER_TILE, D_IN)

    return _tc_mlp(s4, y, dis, W_conv, b_conv.reshape(1, D1),
                   W_fc1, b_fc1.reshape(1, D2), W_fc2, b_fc2.reshape(1, D_IN))

# --- scband reference (transcript-rebuilt; emitter-appended) ---
"""Pipeline reference for scband-net2-86397562127201 (READ-ONLY COPY).

The authoritative reference and input builder live on the scoring server;
editing this copy changes nothing except your own understanding.
"""

import jax, jax.numpy as jnp
import numpy as np

N_NODES = 10000
N_EDGES = 320000
D_IN = 128
D1 = 256
D2 = 128

def setup_inputs(seed: int = 0) -> dict:
    key = jax.random.key(seed)
    ks = jax.random.split(key, 8)
    x = jax.random.normal(ks[0], (N_NODES, D_IN), dtype=jnp.float32)
    edge_index = jax.random.randint(ks[1], (2, N_EDGES), 0, N_NODES, dtype=jnp.int64)
    # GCNConv weight [D_IN, D1] + bias
    W_conv = jax.random.normal(ks[2], (D_IN, D1), dtype=jnp.float32) * (1.0 / np.sqrt(D_IN))
    b_conv = jnp.zeros((D1,), dtype=jnp.float32)
    W_fc1 = jax.random.normal(ks[3], (D1, D2), dtype=jnp.float32) * (1.0 / np.sqrt(D1))
    b_fc1 = jax.random.normal(ks[4], (D2,), dtype=jnp.float32) * 0.01
    W_fc2 = jax.random.normal(ks[5], (D2, D_IN), dtype=jnp.float32) * (1.0 / np.sqrt(D2))
    b_fc2 = jax.random.normal(ks[6], (D_IN,), dtype=jnp.float32) * 0.01
    return {"x": x, "edge_index": edge_index, "W_conv": W_conv, "b_conv": b_conv,
            "W_fc1": W_fc1, "b_fc1": b_fc1, "W_fc2": W_fc2, "b_fc2": b_fc2}

def _gcn_conv(x, edge_index, W, b):
    N = x.shape[0]
    loop = jnp.arange(N, dtype=edge_index.dtype)
    src = jnp.concatenate([edge_index[0], loop])
    dst = jnp.concatenate([edge_index[1], loop])
    # symmetric normalization deg^{-1/2} A_hat deg^{-1/2} (with self-loops)
    deg = jnp.zeros((N,), dtype=x.dtype).at[dst].add(1.0)
    deg_inv_sqrt = jnp.where(deg > 0, 1.0 / jnp.sqrt(deg), 0.0)
    norm = deg_inv_sqrt[src] * deg_inv_sqrt[dst]
    h = x @ W  # linear transform first (standard GCNConv)
    msg = h[src] * norm[:, None]
    out = jnp.zeros((N, W.shape[1]), dtype=x.dtype).at[dst].add(msg)
    return out + b

def reference(x, edge_index, W_conv, b_conv, W_fc1, b_fc1, W_fc2, b_fc2):
    h = _gcn_conv(x, edge_index, W_conv, b_conv)
    h = jax.nn.relu(h)
    # dropout is identity in eval mode (training=False)
    h = jax.nn.relu(h @ W_fc1 + b_fc1)
    out = h @ W_fc2 + b_fc2
    return out

if __name__ == "__main__":
    import jax
    _d = setup_inputs()
    print(jax.jit(kernel)(*tuple(_d.values())))

</pallas_src>

<mosaic_0001>
#map = affine_map<(d0, d1) -> (0, 0)>
#map1 = affine_map<(d0, d1) -> (0, 0, 0)>
module attributes {stable_mosaic.version = 14 : i64} {
  func.func @_sc_degree(%arg0: i32, %arg1: i32, %arg2: memref<2560x128xi32, #tpu.memory_space<hbm>>, %arg3: memref<10240x128xf32, #tpu.memory_space<hbm>>, %arg4: memref<128x128xf32, #tpu.memory_space<hbm>>, %arg5: memref<32x640x128xf32, #tpu.memory_space<hbm>>, %arg6: memref<80x128xi32, #tpu.memory_space<vmem>>, %arg7: memref<128x128xf32, #tpu.memory_space<vmem>>, %arg8: memref<10240x128xf32, #tpu.memory_space<vmem_shared>>, %arg9: memref<!tpu.dma_semaphore, #tpu.memory_space<semaphore_mem>>) attributes {dimension_semantics = [#tpu.dimension_semantics<core_parallel>, #tpu.dimension_semantics<subcore_parallel>], iteration_bounds = array<i64: 2, 16>, scalar_prefetch = 0 : i64, scratch_operands = 4 : i64, tpu.core_type = #tpu.core_type<sc_vector_subcore>, window_params = [{transform_indices = #map}, {transform_indices = #map}, {transform_indices = #map}, {transform_indices = #map1}]} {
    %mul3A = arith.constant 2 : i32
    %mul3A_0 = arith.muli %arg1, %mul3A : i32
    %add3A = arith.addi %mul3A_0, %arg0 : i32
    %mul3A_1 = arith.constant 640 : i32
    %mul3A_2 = arith.muli %arg1, %mul3A_1 : i32
    %mul3A_3 = arith.constant 80 : i32
    %mul3A_4 = arith.muli %add3A, %mul3A_3 : i32
    "tpu.region"() ({
      %run_scoped3A = tpu.sem_alloc : memref<!tpu.dma_semaphore, #tpu.memory_space<semaphore_mem>>
      %dma_start3A = arith.constant 0 : i32
      %dma_start3A_15 = tpu.memref_slice %arg2[%mul3A_4, %dma_start3A] : memref<2560x128xi32, #tpu.memory_space<hbm>> -> memref<80x128xi32, #tpu.memory_space<hbm>>
      %dma_start3A_16 = arith.constant 0 : i32
      %dma_start3A_17 = tpu.memref_slice %arg2[%mul3A_4, %dma_start3A_16] : memref<2560x128xi32, #tpu.memory_space<hbm>> -> memref<80x128xi32, #tpu.memory_space<hbm>>
      tpu.enqueue_dma source(%dma_start3A_17 : memref<80x128xi32, #tpu.memory_space<hbm>>) target(%arg6 : memref<80x128xi32, #tpu.memory_space<vmem>>) target_semaphore(%run_scoped3A : memref<!tpu.dma_semaphore, #tpu.memory_space<semaphore_mem>>)
      %dma_wait3A = arith.constant 0 : i32
      %dma_wait3A_18 = tpu.memref_slice %arg2[%mul3A_4, %dma_wait3A] : memref<2560x128xi32, #tpu.memory_space<hbm>> -> memref<80x128xi32, #tpu.memory_space<hbm>>
      %dma_wait3A_19 = arith.constant 0 : i32
      %dma_wait3A_20 = tpu.memref_slice %arg2[%mul3A_4, %dma_wait3A_19] : memref<2560x128xi32, #tpu.memory_space<hbm>> -> memref<80x128xi32, #tpu.memory_space<hbm>>
      tpu.wait_dma2 semaphore(%run_scoped3A : memref<!tpu.dma_semaphore, #tpu.memory_space<semaphore_mem>>) src(%dma_wait3A_20 : memref<80x128xi32, #tpu.memory_space<hbm>>) dst(%arg6 : memref<80x128xi32, #tpu.memory_space<vmem>>)
      tpu.yield
    }) : () -> ()
    "tpu.region"() ({
      %run_scoped3A = tpu.sem_alloc : memref<!tpu.dma_semaphore, #tpu.memory_space<semaphore_mem>>
      tpu.enqueue_dma source(%arg4 : memref<128x128xf32, #tpu.memory_space<hbm>>) target(%arg7 : memref<128x128xf32, #tpu.memory_space<vmem>>) target_semaphore(%run_scoped3A : memref<!tpu.dma_semaphore, #tpu.memory_space<semaphore_mem>>)
      tpu.wait_dma2 semaphore(%run_scoped3A : memref<!tpu.dma_semaphore, #tpu.memory_space<semaphore_mem>>) src(%arg4 : memref<128x128xf32, #tpu.memory_space<hbm>>) dst(%arg7 : memref<128x128xf32, #tpu.memory_space<vmem>>)
      tpu.yield
    }) : () -> ()
    "tpu.region"() ({
      %run_scoped3A = tpu.sem_alloc : memref<!tpu.dma_semaphore, #tpu.memory_space<semaphore_mem>>
      %dma_start3A = arith.constant 0 : i32
      %dma_start3A_15 = tpu.memref_slice %arg8[%mul3A_2, %dma_start3A] : memref<10240x128xf32, #tpu.memory_space<vmem_shared>> -> memref<640x128xf32, #tpu.memory_space<vmem_shared>>
      %dma_start3A_16 = arith.constant 0 : i32
      %dma_start3A_17 = tpu.memref_slice %arg3[%mul3A_2, %dma_start3A_16] : memref<10240x128xf32, #tpu.memory_space<hbm>> -> memref<640x128xf32, #tpu.memory_space<hbm>>
      tpu.enqueue_dma source(%dma_start3A_17 : memref<640x128xf32, #tpu.memory_space<hbm>>) target(%dma_start3A_15 : memref<640x128xf32, #tpu.memory_space<vmem_shared>>) target_semaphore(%run_scoped3A : memref<!tpu.dma_semaphore, #tpu.memory_space<semaphore_mem>>)
      %dma_wait3A = arith.constant 0 : i32
      %dma_wait3A_18 = tpu.memref_slice %arg8[%mul3A_2, %dma_wait3A] : memref<10240x128xf32, #tpu.memory_space<vmem_shared>> -> memref<640x128xf32, #tpu.memory_space<vmem_shared>>
      %dma_wait3A_19 = arith.constant 0 : i32
      %dma_wait3A_20 = tpu.memref_slice %arg3[%mul3A_2, %dma_wait3A_19] : memref<10240x128xf32, #tpu.memory_space<hbm>> -> memref<640x128xf32, #tpu.memory_space<hbm>>
      tpu.wait_dma2 semaphore(%run_scoped3A : memref<!tpu.dma_semaphore, #tpu.memory_space<semaphore_mem>>) src(%dma_wait3A_20 : memref<640x128xf32, #tpu.memory_space<hbm>>) dst(%dma_wait3A_18 : memref<640x128xf32, #tpu.memory_space<vmem_shared>>)
      tpu.yield
    }) : () -> ()
    %barrier3A = arith.constant 0 : index
    tpu.barrier barrier_id(%barrier3A)
    %scan3A = arith.constant 0 : i32
    %scan3A_5 = arith.constant 80 : i32
    %scan3A_6 = arith.addi %scan3A, %scan3A_5 : i32
    %scan3A_7 = arith.constant 1 : i32
    scf.for %scan3A_15 = %scan3A to %scan3A_6 step %scan3A_7  : i32 {
      %mul3A_16 = arith.constant 1 : i32
      %mul3A_17 = arith.muli %scan3A_15, %mul3A_16 : i32
      %add3A_18 = arith.constant 0 : i32
      %add3A_19 = arith.addi %add3A_18, %mul3A_17 : i32
      %dma_start3A = arith.constant 0 : i32
      %dma_start3A_20 = tpu.memref_slice %arg6[%add3A_19, %dma_start3A] : memref<80x128xi32, #tpu.memory_space<vmem>> -> memref<1x128xi32, #tpu.memory_space<vmem>>
      %dma_start3A_21 = tpu.memref_squeeze %dma_start3A_20 : memref<1x128xi32, #tpu.memory_space<vmem>> -> memref<128xi32, #tpu.memory_space<vmem>>
      %dma_start3A_22 = arith.constant 0 : i32
      %dma_start3A_23 = arith.constant 0 : i32
      %dma_start3A_24 = tpu.memref_slice %arg8[%dma_start3A_22, %dma_start3A_23] : memref<10240x128xf32, #tpu.memory_space<vmem_shared>> -> memref<10240x128xf32, #tpu.memory_space<vmem_shared>>
      tpu.enqueue_indirect_dma source(%arg7 : memref<128x128xf32, #tpu.memory_space<vmem>>) target(%dma_start3A_24 : memref<10240x128xf32, #tpu.memory_space<vmem_shared>>) offsets(%dma_start3A_21 : memref<128xi32, #tpu.memory_space<vmem>>) semaphore(%arg9 : memref<!tpu.dma_semaphore, #tpu.memory_space<semaphore_mem>>) {add = true}
    }
    %scan3A_8 = arith.constant 80 : i32
    %scan3A_9 = arith.constant 0 : i32
    %scan3A_10 = arith.constant 80 : i32
    %scan3A_11 = arith.addi %scan3A_9, %scan3A_10 : i32
    %scan3A_12 = arith.constant 1 : i32
    scf.for %scan3A_15 = %scan3A_9 to %scan3A_11 step %scan3A_12  : i32 {
      %mul3A_16 = arith.constant 1 : i32
      %mul3A_17 = arith.muli %scan3A_15, %mul3A_16 : i32
      %add3A_18 = arith.constant 0 : i32
      %add3A_19 = arith.addi %add3A_18, %mul3A_17 : i32
      %dma_wait3A = arith.constant 0 : i32
      %dma_wait3A_20 = tpu.memref_slice %arg6[%add3A_19, %dma_wait3A] : memref<80x128xi32, #tpu.memory_space<vmem>> -> memref<1x128xi32, #tpu.memory_space<vmem>>
      %dma_wait3A_21 = tpu.memref_squeeze %dma_wait3A_20 : memref<1x128xi32, #tpu.memory_space<vmem>> -> memref<128xi32, #tpu.memory_space<vmem>>
      %dma_wait3A_22 = arith.constant 0 : i32
      %dma_wait3A_23 = arith.constant 0 : i32
      %dma_wait3A_24 = tpu.memref_slice %arg8[%dma_wait3A_22, %dma_wait3A_23] : memref<10240x128xf32, #tpu.memory_space<vmem_shared>> -> memref<10240x128xf32, #tpu.memory_space<vmem_shared>>
      tpu.wait_indirect_dma semaphore(%arg9 : memref<!tpu.dma_semaphore, #tpu.memory_space<semaphore_mem>>) src(%arg7 : memref<128x128xf32, #tpu.memory_space<vmem>>) dst(%dma_wait3A_24 : memref<10240x128xf32, #tpu.memory_space<vmem_shared>>)
    }
    %scan3A_13 = arith.constant 80 : i32
    %barrier3A_14 = arith.constant 0 : index
    tpu.barrier barrier_id(%barrier3A_14)
    "tpu.region"() ({
      %run_scoped3A = tpu.sem_alloc : memref<!tpu.dma_semaphore, #tpu.memory_space<semaphore_mem>>
      %dma_start3A = arith.constant 0 : i32
      %dma_start3A_15 = arith.constant 0 : i32
      %dma_start3A_16 = tpu.memref_slice %arg5[%add3A, %dma_start3A, %dma_start3A_15] : memref<32x640x128xf32, #tpu.memory_space<hbm>> -> memref<1x640x128xf32, #tpu.memory_space<hbm>>
      %dma_start3A_17 = tpu.memref_squeeze %dma_start3A_16 : memref<1x640x128xf32, #tpu.memory_space<hbm>> -> memref<640x128xf32, #tpu.memory_space<hbm>>
      %dma_start3A_18 = arith.constant 0 : i32
      %dma_start3A_19 = tpu.memref_slice %arg8[%mul3A_2, %dma_start3A_18] : memref<10240x128xf32, #tpu.memory_space<vmem_shared>> -> memref<640x128xf32, #tpu.memory_space<vmem_shared>>
      tpu.enqueue_dma source(%dma_start3A_19 : memref<640x128xf32, #tpu.memory_space<vmem_shared>>) target(%dma_start3A_17 : memref<640x128xf32, #tpu.memory_space<hbm>>) target_semaphore(%run_scoped3A : memref<!tpu.dma_semaphore, #tpu.memory_space<semaphore_mem>>)
      %dma_wait3A = arith.constant 0 : i32
      %dma_wait3A_20 = arith.constant 0 : i32
      %dma_wait3A_21 = tpu.memref_slice %arg5[%add3A, %dma_wait3A, %dma_wait3A_20] : memref<32x640x128xf32, #tpu.memory_space<hbm>> -> memref<1x640x128xf32, #tpu.memory_space<hbm>>
      %dma_wait3A_22 = tpu.memref_squeeze %dma_wait3A_21 : memref<1x640x128xf32, #tpu.memory_space<hbm>> -> memref<640x128xf32, #tpu.memory_space<hbm>>
      %dma_wait3A_23 = arith.constant 0 : i32
      %dma_wait3A_24 = tpu.memref_slice %arg8[%mul3A_2, %dma_wait3A_23] : memref<10240x128xf32, #tpu.memory_space<vmem_shared>> -> memref<640x128xf32, #tpu.memory_space<vmem_shared>>
      tpu.wait_dma2 semaphore(%run_scoped3A : memref<!tpu.dma_semaphore, #tpu.memory_space<semaphore_mem>>) src(%dma_wait3A_24 : memref<640x128xf32, #tpu.memory_space<vmem_shared>>) dst(%dma_wait3A_22 : memref<640x128xf32, #tpu.memory_space<hbm>>)
      tpu.yield
    }) : () -> ()
    return
  }
}

#map = affine_map<(d0, d1) -> (0, 0)>
#map1 = affine_map<(d0, d1) -> (0, 0, 0)>
module attributes {stable_mosaic.version = 14 : i64} {
  func.func @_sc_aggregate(%arg0: i32, %arg1: i32, %arg2: memref<2560x128xi32, #tpu.memory_space<hbm>>, %arg3: memref<2560x128xi32, #tpu.memory_space<hbm>>, %arg4: memref<10240x128xf32, #tpu.memory_space<hbm>>, %arg5: memref<10240x128xf32, #tpu.memory_space<hbm>>, %arg6: memref<32x640x128xf32, #tpu.memory_space<hbm>>, %arg7: memref<16x128xi32, #tpu.memory_space<vmem>>, %arg8: memref<16x128xi32, #tpu.memory_space<vmem>>, %arg9: memref<128x128xf32, #tpu.memory_space<vmem>>, %arg10: memref<128x128xf32, #tpu.memory_space<vmem>>, %arg11: memref<10240x128xf32, #tpu.memory_space<vmem_shared>>, %arg12: memref<!tpu.dma_semaphore, #tpu.memory_space<semaphore_mem>>, %arg13: memref<!tpu.dma_semaphore, #tpu.memory_space<semaphore_mem>>, %arg14: memref<!tpu.dma_semaphore, #tpu.memory_space<semaphore_mem>>, %arg15: memref<!tpu.dma_semaphore, #tpu.memory_space<semaphore_mem>>) attributes {dimension_semantics = [#tpu.dimension_semantics<core_parallel>, #tpu.dimension_semantics<subcore_parallel>], iteration_bounds = array<i64: 2, 16>, scalar_prefetch = 0 : i64, scratch_operands = 9 : i64, tpu.core_type = #tpu.core_type<sc_vector_subcore>, window_params = [{transform_indices = #map}, {transform_indices = #map}, {transform_indices = #map}, {transform_indices = #map}, {transform_indices = #map1}]} {
    %mul3A = arith.constant 2 : i32
    %mul3A_0 = arith.muli %arg1, %mul3A : i32
    %add3A = arith.addi %mul3A_0, %arg0 : i32
    %eq3A = arith.constant 0 : i32
    %eq3A_1 = arith.cmpi eq, %arg0, %eq3A : i32
    %mul3A_2 = arith.constant 80 : i32
    %mul3A_3 = arith.muli %arg1, %mul3A_2 : i32
    %mul3A_4 = arith.constant 80 : i32
    %mul3A_5 = arith.muli %arg1, %mul3A_4 : i32
    %add3A_6 = arith.constant 1280 : i32
    %add3A_7 = arith.addi %add3A_6, %mul3A_5 : i32
    %select_n3A = arith.select %eq3A_1, %mul3A_3, %add3A_7 : i32
    %eq3A_8 = arith.constant 0 : i32
    %eq3A_9 = arith.cmpi eq, %arg0, %eq3A_8 : i32
    %jit3A = arith.constant 5 : i32
    %jit3A_10 = arith.constant 5 : i32
    %select_n3A_11 = arith.select %eq3A_9, %jit3A, %jit3A_10 : i32
    %mul3A_12 = arith.constant 640 : i32
    %mul3A_13 = arith.muli %arg1, %mul3A_12 : i32
    "tpu.trace_start"() <{level = 10 : i32, message = "agg_init"}> : () -> ()
    "tpu.region"() ({
      %run_scoped3A = tpu.sem_alloc : memref<!tpu.dma_semaphore, #tpu.memory_space<semaphore_mem>>
      %dma_start3A = arith.constant 0 : i32
      %dma_start3A_31 = tpu.memref_slice %arg11[%mul3A_13, %dma_start3A] : memref<10240x128xf32, #tpu.memory_space<vmem_shared>> -> memref<640x128xf32, #tpu.memory_space<vmem_shared>>
      %dma_start3A_32 = arith.constant 0 : i32
      %dma_start3A_33 = tpu.memref_slice %arg5[%mul3A_13, %dma_start3A_32] : memref<10240x128xf32, #tpu.memory_space<hbm>> -> memref<640x128xf32, #tpu.memory_space<hbm>>
      tpu.enqueue_dma source(%dma_start3A_33 : memref<640x128xf32, #tpu.memory_space<hbm>>) target(%dma_start3A_31 : memref<640x128xf32, #tpu.memory_space<vmem_shared>>) target_semaphore(%run_scoped3A : memref<!tpu.dma_semaphore, #tpu.memory_space<semaphore_mem>>)
      %dma_wait3A = arith.constant 0 : i32
      %dma_wait3A_34 = tpu.memref_slice %arg11[%mul3A_13, %dma_wait3A] : memref<10240x128xf32, #tpu.memory_space<vmem_shared>> -> memref<640x128xf32, #tpu.memory_space<vmem_shared>>
      %dma_wait3A_35 = arith.constant 0 : i32
      %dma_wait3A_36 = tpu.memref_slice %arg5[%mul3A_13, %dma_wait3A_35] : memref<10240x128xf32, #tpu.memory_space<hbm>> -> memref<640x128xf32, #tpu.memory_space<hbm>>
      tpu.wait_dma2 semaphore(%run_scoped3A : memref<!tpu.dma_semaphore, #tpu.memory_space<semaphore_mem>>) src(%dma_wait3A_36 : memref<640x128xf32, #tpu.memory_space<hbm>>) dst(%dma_wait3A_34 : memref<640x128xf32, #tpu.memory_space<vmem_shared>>)
      tpu.yield
    }) : () -> ()
    %barrier3A = arith.constant 0 : index
    tpu.barrier barrier_id(%barrier3A)
    "tpu.trace_stop"() : () -> ()
    "tpu.trace_start"() <{level = 10 : i32, message = "agg_edges"}> : () -> ()
    %sub3A = arith.constant 0 : i32
    %sub3A_14 = arith.subi %select_n3A_11, %sub3A : i32
    %sub3A_15 = arith.constant 1 : i32
    %sub3A_16 = arith.constant 1 : i32
    %sub3A_17 = arith.subi %sub3A_15, %sub3A_16 : i32
    %add3A_18 = arith.addi %sub3A_14, %sub3A_17 : i32
    %div3A = arith.constant 1 : i32
    %div3A_19 = arith.divsi %add3A_18, %div3A : i32
    %while3A = arith.constant 1 : i32
    %while3A_20 = arith.constant 0 : i32
    %while3A_21 = arith.constant 0 : i32
    %while3A_22 = arith.subi %div3A_19, %while3A_21 : i32
    %while3A_23 = arith.addi %while3A_21, %while3A_22 : i32
    %while3A_24 = arith.constant 1 : i32
    %while3A_25 = arith.divsi %while3A_22, %while3A_24 : i32
    %while3A_26 = arith.muli %while3A_25, %while3A_24 : i32
    %while3A_27 = arith.addi %while3A_21, %while3A_26 : i32
    %while3A_28 = arith.constant 1 : i32
    scf.for %while3A_31 = %while3A_21 to %while3A_27 step %while3A_28  : i32 {
      %mul3A_32 = arith.muli %while3A_31, %while3A : i32
      %add3A_33 = arith.addi %while3A_20, %mul3A_32 : i32
      %mul3A_34 = arith.constant 16 : i32
      %mul3A_35 = arith.muli %add3A_33, %mul3A_34 : i32
      %add3A_36 = arith.addi %select_n3A, %mul3A_35 : i32
      "tpu.region"() ({
        %run_scoped3A = tpu.sem_alloc : memref<!tpu.dma_semaphore, #tpu.memory_space<semaphore_mem>>
        %dma_start3A_60 = arith.constant 0 : i32
        %dma_start3A_61 = tpu.memref_slice %arg2[%add3A_36, %dma_start3A_60] : memref<2560x128xi32, #tpu.memory_space<hbm>> -> memref<16x128xi32, #tpu.memory_space<hbm>>
        %dma_start3A_62 = arith.constant 0 : i32
        %dma_start3A_63 = tpu.memref_slice %arg2[%add3A_36, %dma_start3A_62] : memref<2560x128xi32, #tpu.memory_space<hbm>> -> memref<16x128xi32, #tpu.memory_space<hbm>>
        tpu.enqueue_dma source(%dma_start3A_63 : memref<16x128xi32, #tpu.memory_space<hbm>>) target(%arg7 : memref<16x128xi32, #tpu.memory_space<vmem>>) target_semaphore(%run_scoped3A : memref<!tpu.dma_semaphore, #tpu.memory_space<semaphore_mem>>)
        %dma_wait3A_64 = arith.constant 0 : i32
        %dma_wait3A_65 = tpu.memref_slice %arg2[%add3A_36, %dma_wait3A_64] : memref<2560x128xi32, #tpu.memory_space<hbm>> -> memref<16x128xi32, #tpu.memory_space<hbm>>
        %dma_wait3A_66 = arith.constant 0 : i32
        %dma_wait3A_67 = tpu.memref_slice %arg2[%add3A_36, %dma_wait3A_66] : memref<2560x128xi32, #tpu.memory_space<hbm>> -> memref<16x128xi32, #tpu.memory_space<hbm>>
        tpu.wait_dma2 semaphore(%run_scoped3A : memref<!tpu.dma_semaphore, #tpu.memory_space<semaphore_mem>>) src(%dma_wait3A_67 : memref<16x128xi32, #tpu.memory_space<hbm>>) dst(%arg7 : memref<16x128xi32, #tpu.memory_space<vmem>>)
        tpu.yield
      }) : () -> ()
      "tpu.region"() ({
        %run_scoped3A = tpu.sem_alloc : memref<!tpu.dma_semaphore, #tpu.memory_space<semaphore_mem>>
        %dma_start3A_60 = arith.constant 0 : i32
        %dma_start3A_61 = tpu.memref_slice %arg3[%add3A_36, %dma_start3A_60] : memref<2560x128xi32, #tpu.memory_space<hbm>> -> memref<16x128xi32, #tpu.memory_space<hbm>>
        %dma_start3A_62 = arith.constant 0 : i32
        %dma_start3A_63 = tpu.memref_slice %arg3[%add3A_36, %dma_start3A_62] : memref<2560x128xi32, #tpu.memory_space<hbm>> -> memref<16x128xi32, #tpu.memory_space<hbm>>
        tpu.enqueue_dma source(%dma_start3A_63 : memref<16x128xi32, #tpu.memory_space<hbm>>) target(%arg8 : memref<16x128xi32, #tpu.memory_space<vmem>>) target_semaphore(%run_scoped3A : memref<!tpu.dma_semaphore, #tpu.memory_space<semaphore_mem>>)
        %dma_wait3A_64 = arith.constant 0 : i32
        %dma_wait3A_65 = tpu.memref_slice %arg3[%add3A_36, %dma_wait3A_64] : memref<2560x128xi32, #tpu.memory_space<hbm>> -> memref<16x128xi32, #tpu.memory_space<hbm>>
        %dma_wait3A_66 = arith.constant 0 : i32
        %dma_wait3A_67 = tpu.memref_slice %arg3[%add3A_36, %dma_wait3A_66] : memref<2560x128xi32, #tpu.memory_space<hbm>> -> memref<16x128xi32, #tpu.memory_space<hbm>>
        tpu.wait_dma2 semaphore(%run_scoped3A : memref<!tpu.dma_semaphore, #tpu.memory_space<semaphore_mem>>) src(%dma_wait3A_67 : memref<16x128xi32, #tpu.memory_space<hbm>>) dst(%arg8 : memref<16x128xi32, #tpu.memory_space<vmem>>)
        tpu.yield
      }) : () -> ()
      %dma_start3A = arith.constant 0 : i32
      %dma_start3A_37 = arith.constant 0 : i32
      %dma_start3A_38 = tpu.memref_slice %arg7[%dma_start3A, %dma_start3A_37] : memref<16x128xi32, #tpu.memory_space<vmem>> -> memref<1x128xi32, #tpu.memory_space<vmem>>
      %dma_start3A_39 = tpu.memref_squeeze %dma_start3A_38 : memref<1x128xi32, #tpu.memory_space<vmem>> -> memref<128xi32, #tpu.memory_space<vmem>>
      %dma_start3A_40 = arith.constant 0 : i32
      %dma_start3A_41 = arith.constant 0 : i32
      %dma_start3A_42 = tpu.memref_slice %arg4[%dma_start3A_40, %dma_start3A_41] : memref<10240x128xf32, #tpu.memory_space<hbm>> -> memref<10240x128xf32, #tpu.memory_space<hbm>>
      tpu.enqueue_indirect_dma source(%dma_start3A_42 : memref<10240x128xf32, #tpu.memory_space<hbm>>) target(%arg9 : memref<128x128xf32, #tpu.memory_space<vmem>>) offsets(%dma_start3A_39 : memref<128xi32, #tpu.memory_space<vmem>>) semaphore(%arg12 : memref<!tpu.dma_semaphore, #tpu.memory_space<semaphore_mem>>)
      %scan3A = arith.constant 0 : i32
      %scan3A_43 = arith.constant 8 : i32
      %scan3A_44 = arith.addi %scan3A, %scan3A_43 : i32
      %scan3A_45 = arith.constant 1 : i32
      scf.for %scan3A_60 = %scan3A to %scan3A_44 step %scan3A_45  : i32 {
        %mul3A_61 = arith.constant 1 : i32
        %mul3A_62 = arith.muli %scan3A_60, %mul3A_61 : i32
        %add3A_63 = arith.constant 0 : i32
        %add3A_64 = arith.addi %add3A_63, %mul3A_62 : i32
        %mul3A_65 = arith.constant 2 : i32
        %mul3A_66 = arith.muli %mul3A_65, %add3A_64 : i32
        %add3A_67 = arith.constant 0 : i32
        %add3A_68 = arith.addi %mul3A_66, %add3A_67 : i32
        %add3A_69 = arith.constant 2 : i32
        %add3A_70 = arith.addi %add3A_68, %add3A_69 : i32
        %sub3A_71 = arith.constant 1 : i32
        %sub3A_72 = arith.subi %add3A_70, %sub3A_71 : i32
        %lt3A = arith.constant 16 : i32
        %lt3A_73 = arith.cmpi slt, %sub3A_72, %lt3A : i32
        %convert_element_type3A = arith.extui %lt3A_73 : i1 to i32
        %cond3A = arith.constant 0 : i32
        %cond3A_74 = arith.cmpi ne, %convert_element_type3A, %cond3A : i32
        scf.if %cond3A_74 {
          %ge3A = arith.constant 2 : i32
          %ge3A_112 = arith.cmpi sge, %sub3A_72, %ge3A : i32
          %convert_element_type3A_113 = arith.extui %ge3A_112 : i1 to i32
          %cond3A_114 = arith.constant 0 : i32
          %cond3A_115 = arith.cmpi ne, %convert_element_type3A_113, %cond3A_114 : i32
          scf.if %cond3A_115 {
            %sub3A_122 = arith.constant 2 : i32
            %sub3A_123 = arith.subi %sub3A_72, %sub3A_122 : i32
            %dma_wait3A_124 = arith.constant 0 : i32
            %dma_wait3A_125 = tpu.memref_slice %arg8[%sub3A_123, %dma_wait3A_124] : memref<16x128xi32, #tpu.memory_space<vmem>> -> memref<1x128xi32, #tpu.memory_space<vmem>>
            %dma_wait3A_126 = tpu.memref_squeeze %dma_wait3A_125 : memref<1x128xi32, #tpu.memory_space<vmem>> -> memref<128xi32, #tpu.memory_space<vmem>>
            %dma_wait3A_127 = arith.constant 0 : i32
            %dma_wait3A_128 = arith.constant 0 : i32
            %dma_wait3A_129 = tpu.memref_slice %arg11[%dma_wait3A_127, %dma_wait3A_128] : memref<10240x128xf32, #tpu.memory_space<vmem_shared>> -> memref<10240x128xf32, #tpu.memory_space<vmem_shared>>
            tpu.wait_indirect_dma semaphore(%arg15 : memref<!tpu.dma_semaphore, #tpu.memory_space<semaphore_mem>>) src(%arg10 : memref<128x128xf32, #tpu.memory_space<vmem>>) dst(%dma_wait3A_129 : memref<10240x128xf32, #tpu.memory_space<vmem_shared>>)
          } else {
          }
          %dma_start3A_116 = arith.constant 0 : i32
          %dma_start3A_117 = tpu.memref_slice %arg7[%sub3A_72, %dma_start3A_116] : memref<16x128xi32, #tpu.memory_space<vmem>> -> memref<1x128xi32, #tpu.memory_space<vmem>>
          %dma_start3A_118 = tpu.memref_squeeze %dma_start3A_117 : memref<1x128xi32, #tpu.memory_space<vmem>> -> memref<128xi32, #tpu.memory_space<vmem>>
          %dma_start3A_119 = arith.constant 0 : i32
          %dma_start3A_120 = arith.constant 0 : i32
          %dma_start3A_121 = tpu.memref_slice %arg4[%dma_start3A_119, %dma_start3A_120] : memref<10240x128xf32, #tpu.memory_space<hbm>> -> memref<10240x128xf32, #tpu.memory_space<hbm>>
          tpu.enqueue_indirect_dma source(%dma_start3A_121 : memref<10240x128xf32, #tpu.memory_space<hbm>>) target(%arg10 : memref<128x128xf32, #tpu.memory_space<vmem>>) offsets(%dma_start3A_118 : memref<128xi32, #tpu.memory_space<vmem>>) semaphore(%arg13 : memref<!tpu.dma_semaphore, #tpu.memory_space<semaphore_mem>>)
        } else {
        }
        %dma_wait3A_75 = arith.constant 0 : i32
        %dma_wait3A_76 = tpu.memref_slice %arg7[%add3A_68, %dma_wait3A_75] : memref<16x128xi32, #tpu.memory_space<vmem>> -> memref<1x128xi32, #tpu.memory_space<vmem>>
        %dma_wait3A_77 = tpu.memref_squeeze %dma_wait3A_76 : memref<1x128xi32, #tpu.memory_space<vmem>> -> memref<128xi32, #tpu.memory_space<vmem>>
        %dma_wait3A_78 = arith.constant 0 : i32
        %dma_wait3A_79 = arith.constant 0 : i32
        %dma_wait3A_80 = tpu.memref_slice %arg4[%dma_wait3A_78, %dma_wait3A_79] : memref<10240x128xf32, #tpu.memory_space<hbm>> -> memref<10240x128xf32, #tpu.memory_space<hbm>>
        tpu.wait_indirect_dma semaphore(%arg12 : memref<!tpu.dma_semaphore, #tpu.memory_space<semaphore_mem>>) src(%dma_wait3A_80 : memref<10240x128xf32, #tpu.memory_space<hbm>>) dst(%arg9 : memref<128x128xf32, #tpu.memory_space<vmem>>)
        %dma_start3A_81 = arith.constant 0 : i32
        %dma_start3A_82 = tpu.memref_slice %arg8[%add3A_68, %dma_start3A_81] : memref<16x128xi32, #tpu.memory_space<vmem>> -> memref<1x128xi32, #tpu.memory_space<vmem>>
        %dma_start3A_83 = tpu.memref_squeeze %dma_start3A_82 : memref<1x128xi32, #tpu.memory_space<vmem>> -> memref<128xi32, #tpu.memory_space<vmem>>
        %dma_start3A_84 = arith.constant 0 : i32
        %dma_start3A_85 = arith.constant 0 : i32
        %dma_start3A_86 = tpu.memref_slice %arg11[%dma_start3A_84, %dma_start3A_85] : memref<10240x128xf32, #tpu.memory_space<vmem_shared>> -> memref<10240x128xf32, #tpu.memory_space<vmem_shared>>
        tpu.enqueue_indirect_dma source(%arg9 : memref<128x128xf32, #tpu.memory_space<vmem>>) target(%dma_start3A_86 : memref<10240x128xf32, #tpu.memory_space<vmem_shared>>) offsets(%dma_start3A_83 : memref<128xi32, #tpu.memory_space<vmem>>) semaphore(%arg14 : memref<!tpu.dma_semaphore, #tpu.memory_space<semaphore_mem>>) {add = true}
        %mul3A_87 = arith.constant 2 : i32
        %mul3A_88 = arith.muli %mul3A_87, %add3A_64 : i32
        %add3A_89 = arith.constant 1 : i32
        %add3A_90 = arith.addi %mul3A_88, %add3A_89 : i32
        %add3A_91 = arith.constant 2 : i32
        %add3A_92 = arith.addi %add3A_90, %add3A_91 : i32
        %sub3A_93 = arith.constant 1 : i32
        %sub3A_94 = arith.subi %add3A_92, %sub3A_93 : i32
        %lt3A_95 = arith.constant 16 : i32
        %lt3A_96 = arith.cmpi slt, %sub3A_94, %lt3A_95 : i32
        %convert_element_type3A_97 = arith.extui %lt3A_96 : i1 to i32
        %cond3A_98 = arith.constant 0 : i32
        %cond3A_99 = arith.cmpi ne, %convert_element_type3A_97, %cond3A_98 : i32
        scf.if %cond3A_99 {
          %ge3A = arith.constant 2 : i32
          %ge3A_112 = arith.cmpi sge, %sub3A_94, %ge3A : i32
          %convert_element_type3A_113 = arith.extui %ge3A_112 : i1 to i32
          %cond3A_114 = arith.constant 0 : i32
          %cond3A_115 = arith.cmpi ne, %convert_element_type3A_113, %cond3A_114 : i32
          scf.if %cond3A_115 {
            %sub3A_122 = arith.constant 2 : i32
            %sub3A_123 = arith.subi %sub3A_94, %sub3A_122 : i32
            %dma_wait3A_124 = arith.constant 0 : i32
            %dma_wait3A_125 = tpu.memref_slice %arg8[%sub3A_123, %dma_wait3A_124] : memref<16x128xi32, #tpu.memory_space<vmem>> -> memref<1x128xi32, #tpu.memory_space<vmem>>
            %dma_wait3A_126 = tpu.memref_squeeze %dma_wait3A_125 : memref<1x128xi32, #tpu.memory_space<vmem>> -> memref<128xi32, #tpu.memory_space<vmem>>
            %dma_wait3A_127 = arith.constant 0 : i32
            %dma_wait3A_128 = arith.constant 0 : i32
            %dma_wait3A_129 = tpu.memref_slice %arg11[%dma_wait3A_127, %dma_wait3A_128] : memref<10240x128xf32, #tpu.memory_space<vmem_shared>> -> memref<10240x128xf32, #tpu.memory_space<vmem_shared>>
            tpu.wait_indirect_dma semaphore(%arg14 : memref<!tpu.dma_semaphore, #tpu.memory_space<semaphore_mem>>) src(%arg9 : memref<128x128xf32, #tpu.memory_space<vmem>>) dst(%dma_wait3A_129 : memref<10240x128xf32, #tpu.memory_space<vmem_shared>>)
          } else {
          }
          %dma_start3A_116 = arith.constant 0 : i32
          %dma_start3A_117 = tpu.memref_slice %arg7[%sub3A_94, %dma_start3A_116] : memref<16x128xi32, #tpu.memory_space<vmem>> -> memref<1x128xi32, #tpu.memory_space<vmem>>
          %dma_start3A_118 = tpu.memref_squeeze %dma_start3A_117 : memref<1x128xi32, #tpu.memory_space<vmem>> -> memref<128xi32, #tpu.memory_space<vmem>>
          %dma_start3A_119 = arith.constant 0 : i32
          %dma_start3A_120 = arith.constant 0 : i32
          %dma_start3A_121 = tpu.memref_slice %arg4[%dma_start3A_119, %dma_start3A_120] : memref<10240x128xf32, #tpu.memory_space<hbm>> -> memref<10240x128xf32, #tpu.memory_space<hbm>>
          tpu.enqueue_indirect_dma source(%dma_start3A_121 : memref<10240x128xf32, #tpu.memory_space<hbm>>) target(%arg9 : memref<128x128xf32, #tpu.memory_space<vmem>>) offsets(%dma_start3A_118 : memref<128xi32, #tpu.memory_space<vmem>>) semaphore(%arg12 : memref<!tpu.dma_semaphore, #tpu.memory_space<semaphore_mem>>)
        } else {
        }
        %dma_wait3A_100 = arith.constant 0 : i32
        %dma_wait3A_101 = tpu.memref_slice %arg7[%add3A_90, %dma_wait3A_100] : memref<16x128xi32, #tpu.memory_space<vmem>> -> memref<1x128xi32, #tpu.memory_space<vmem>>
        %dma_wait3A_102 = tpu.memref_squeeze %dma_wait3A_101 : memref<1x128xi32, #tpu.memory_space<vmem>> -> memref<128xi32, #tpu.memory_space<vmem>>
        %dma_wait3A_103 = arith.constant 0 : i32
        %dma_wait3A_104 = arith.constant 0 : i32
        %dma_wait3A_105 = tpu.memref_slice %arg4[%dma_wait3A_103, %dma_wait3A_104] : memref<10240x128xf32, #tpu.memory_space<hbm>> -> memref<10240x128xf32, #tpu.memory_space<hbm>>
        tpu.wait_indirect_dma semaphore(%arg13 : memref<!tpu.dma_semaphore, #tpu.memory_space<semaphore_mem>>) src(%dma_wait3A_105 : memref<10240x128xf32, #tpu.memory_space<hbm>>) dst(%arg10 : memref<128x128xf32, #tpu.memory_space<vmem>>)
        %dma_start3A_106 = arith.constant 0 : i32
        %dma_start3A_107 = tpu.memref_slice %arg8[%add3A_90, %dma_start3A_106] : memref<16x128xi32, #tpu.memory_space<vmem>> -> memref<1x128xi32, #tpu.memory_space<vmem>>
        %dma_start3A_108 = tpu.memref_squeeze %dma_start3A_107 : memref<1x128xi32, #tpu.memory_space<vmem>> -> memref<128xi32, #tpu.memory_space<vmem>>
        %dma_start3A_109 = arith.constant 0 : i32
        %dma_start3A_110 = arith.constant 0 : i32
        %dma_start3A_111 = tpu.memref_slice %arg11[%dma_start3A_109, %dma_start3A_110] : memref<10240x128xf32, #tpu.memory_space<vmem_shared>> -> memref<10240x128xf32, #tpu.memory_space<vmem_shared>>
        tpu.enqueue_indirect_dma source(%arg10 : memref<128x128xf32, #tpu.memory_space<vmem>>) target(%dma_start3A_111 : memref<10240x128xf32, #tpu.memory_space<vmem_shared>>) offsets(%dma_start3A_108 : memref<128xi32, #tpu.memory_space<vmem>>) semaphore(%arg15 : memref<!tpu.dma_semaphore, #tpu.memory_space<semaphore_mem>>) {add = true}
      }
      %scan3A_46 = arith.constant 8 : i32
      %dma_wait3A = arith.constant 0 : i32
      %dma_wait3A_47 = arith.constant 0 : i32
      %dma_wait3A_48 = tpu.memref_slice %arg8[%dma_wait3A, %dma_wait3A_47] : memref<16x128xi32, #tpu.memory_space<vmem>> -> memref<1x128xi32, #tpu.memory_space<vmem>>
      %dma_wait3A_49 = tpu.memref_squeeze %dma_wait3A_48 : memref<1x128xi32, #tpu.memory_space<vmem>> -> memref<128xi32, #tpu.memory_space<vmem>>
      %dma_wait3A_50 = arith.constant 0 : i32
      %dma_wait3A_51 = arith.constant 0 : i32
      %dma_wait3A_52 = tpu.memref_slice %arg11[%dma_wait3A_50, %dma_wait3A_51] : memref<10240x128xf32, #tpu.memory_space<vmem_shared>> -> memref<10240x128xf32, #tpu.memory_space<vmem_shared>>
      tpu.wait_indirect_dma semaphore(%arg14 : memref<!tpu.dma_semaphore, #tpu.memory_space<semaphore_mem>>) src(%arg9 : memref<128x128xf32, #tpu.memory_space<vmem>>) dst(%dma_wait3A_52 : memref<10240x128xf32, #tpu.memory_space<vmem_shared>>)
      %dma_wait3A_53 = arith.constant 1 : i32
      %dma_wait3A_54 = arith.constant 0 : i32
      %dma_wait3A_55 = tpu.memref_slice %arg8[%dma_wait3A_53, %dma_wait3A_54] : memref<16x128xi32, #tpu.memory_space<vmem>> -> memref<1x128xi32, #tpu.memory_space<vmem>>
      %dma_wait3A_56 = tpu.memref_squeeze %dma_wait3A_55 : memref<1x128xi32, #tpu.memory_space<vmem>> -> memref<128xi32, #tpu.memory_space<vmem>>
      %dma_wait3A_57 = arith.constant 0 : i32
      %dma_wait3A_58 = arith.constant 0 : i32
      %dma_wait3A_59 = tpu.memref_slice %arg11[%dma_wait3A_57, %dma_wait3A_58] : memref<10240x128xf32, #tpu.memory_space<vmem_shared>> -> memref<10240x128xf32, #tpu.memory_space<vmem_shared>>
      tpu.wait_indirect_dma semaphore(%arg15 : memref<!tpu.dma_semaphore, #tpu.memory_space<semaphore_mem>>) src(%arg10 : memref<128x128xf32, #tpu.memory_space<vmem>>) dst(%dma_wait3A_59 : memref<10240x128xf32, #tpu.memory_space<vmem_shared>>)
    }
    %while3A_29 = arith.constant 1 : i32
    scf.for %while3A_31 = %while3A_27 to %while3A_23 step %while3A_29  : i32 {
      %mul3A_32 = arith.muli %while3A_31, %while3A : i32
      %add3A_33 = arith.addi %while3A_20, %mul3A_32 : i32
      %mul3A_34 = arith.constant 16 : i32
      %mul3A_35 = arith.muli %add3A_33, %mul3A_34 : i32
      %add3A_36 = arith.addi %select_n3A, %mul3A_35 : i32
      "tpu.region"() ({
        %run_scoped3A = tpu.sem_alloc : memref<!tpu.dma_semaphore, #tpu.memory_space<semaphore_mem>>
        %dma_start3A_60 = arith.constant 0 : i32
        %dma_start3A_61 = tpu.memref_slice %arg2[%add3A_36, %dma_start3A_60] : memref<2560x128xi32, #tpu.memory_space<hbm>> -> memref<16x128xi32, #tpu.memory_space<hbm>>
        %dma_start3A_62 = arith.constant 0 : i32
        %dma_start3A_63 = tpu.memref_slice %arg2[%add3A_36, %dma_start3A_62] : memref<2560x128xi32, #tpu.memory_space<hbm>> -> memref<16x128xi32, #tpu.memory_space<hbm>>
        tpu.enqueue_dma source(%dma_start3A_63 : memref<16x128xi32, #tpu.memory_space<hbm>>) target(%arg7 : memref<16x128xi32, #tpu.memory_space<vmem>>) target_semaphore(%run_scoped3A : memref<!tpu.dma_semaphore, #tpu.memory_space<semaphore_mem>>)
        %dma_wait3A_64 = arith.constant 0 : i32
        %dma_wait3A_65 = tpu.memref_slice %arg2[%add3A_36, %dma_wait3A_64] : memref<2560x128xi32, #tpu.memory_space<hbm>> -> memref<16x128xi32, #tpu.memory_space<hbm>>
        %dma_wait3A_66 = arith.constant 0 : i32
        %dma_wait3A_67 = tpu.memref_slice %arg2[%add3A_36, %dma_wait3A_66] : memref<2560x128xi32, #tpu.memory_space<hbm>> -> memref<16x128xi32, #tpu.memory_space<hbm>>
        tpu.wait_dma2 semaphore(%run_scoped3A : memref<!tpu.dma_semaphore, #tpu.memory_space<semaphore_mem>>) src(%dma_wait3A_67 : memref<16x128xi32, #tpu.memory_space<hbm>>) dst(%arg7 : memref<16x128xi32, #tpu.memory_space<vmem>>)
        tpu.yield
      }) : () -> ()
      "tpu.region"() ({
        %run_scoped3A = tpu.sem_alloc : memref<!tpu.dma_semaphore, #tpu.memory_space<semaphore_mem>>
        %dma_start3A_60 = arith.constant 0 : i32
        %dma_start3A_61 = tpu.memref_slice %arg3[%add3A_36, %dma_start3A_60] : memref<2560x128xi32, #tpu.memory_space<hbm>> -> memref<16x128xi32, #tpu.memory_space<hbm>>
        %dma_start3A_62 = arith.constant 0 : i32
        %dma_start3A_63 = tpu.memref_slice %arg3[%add3A_36, %dma_start3A_62] : memref<2560x128xi32, #tpu.memory_space<hbm>> -> memref<16x128xi32, #tpu.memory_space<hbm>>
        tpu.enqueue_dma source(%dma_start3A_63 : memref<16x128xi32, #tpu.memory_space<hbm>>) target(%arg8 : memref<16x128xi32, #tpu.memory_space<vmem>>) target_semaphore(%run_scoped3A : memref<!tpu.dma_semaphore, #tpu.memory_space<semaphore_mem>>)
        %dma_wait3A_64 = arith.constant 0 : i32
        %dma_wait3A_65 = tpu.memref_slice %arg3[%add3A_36, %dma_wait3A_64] : memref<2560x128xi32, #tpu.memory_space<hbm>> -> memref<16x128xi32, #tpu.memory_space<hbm>>
        %dma_wait3A_66 = arith.constant 0 : i32
        %dma_wait3A_67 = tpu.memref_slice %arg3[%add3A_36, %dma_wait3A_66] : memref<2560x128xi32, #tpu.memory_space<hbm>> -> memref<16x128xi32, #tpu.memory_space<hbm>>
        tpu.wait_dma2 semaphore(%run_scoped3A : memref<!tpu.dma_semaphore, #tpu.memory_space<semaphore_mem>>) src(%dma_wait3A_67 : memref<16x128xi32, #tpu.memory_space<hbm>>) dst(%arg8 : memref<16x128xi32, #tpu.memory_space<vmem>>)
        tpu.yield
      }) : () -> ()
      %dma_start3A = arith.constant 0 : i32
      %dma_start3A_37 = arith.constant 0 : i32
      %dma_start3A_38 = tpu.memref_slice %arg7[%dma_start3A, %dma_start3A_37] : memref<16x128xi32, #tpu.memory_space<vmem>> -> memref<1x128xi32, #tpu.memory_space<vmem>>
      %dma_start3A_39 = tpu.memref_squeeze %dma_start3A_38 : memref<1x128xi32, #tpu.memory_space<vmem>> -> memref<128xi32, #tpu.memory_space<vmem>>
      %dma_start3A_40 = arith.constant 0 : i32
      %dma_start3A_41 = arith.constant 0 : i32
      %dma_start3A_42 = tpu.memref_slice %arg4[%dma_start3A_40, %dma_start3A_41] : memref<10240x128xf32, #tpu.memory_space<hbm>> -> memref<10240x128xf32, #tpu.memory_space<hbm>>
      tpu.enqueue_indirect_dma source(%dma_start3A_42 : memref<10240x128xf32, #tpu.memory_space<hbm>>) target(%arg9 : memref<128x128xf32, #tpu.memory_space<vmem>>) offsets(%dma_start3A_39 : memref<128xi32, #tpu.memory_space<vmem>>) semaphore(%arg12 : memref<!tpu.dma_semaphore, #tpu.memory_space<semaphore_mem>>)
      %scan3A = arith.constant 0 : i32
      %scan3A_43 = arith.constant 8 : i32
      %scan3A_44 = arith.addi %scan3A, %scan3A_43 : i32
      %scan3A_45 = arith.constant 1 : i32
      scf.for %scan3A_60 = %scan3A to %scan3A_44 step %scan3A_45  : i32 {
        %mul3A_61 = arith.constant 1 : i32
        %mul3A_62 = arith.muli %scan3A_60, %mul3A_61 : i32
        %add3A_63 = arith.constant 0 : i32
        %add3A_64 = arith.addi %add3A_63, %mul3A_62 : i32
        %mul3A_65 = arith.constant 2 : i32
        %mul3A_66 = arith.muli %mul3A_65, %add3A_64 : i32
        %add3A_67 = arith.constant 0 : i32
        %add3A_68 = arith.addi %mul3A_66, %add3A_67 : i32
        %add3A_69 = arith.constant 2 : i32
        %add3A_70 = arith.addi %add3A_68, %add3A_69 : i32
        %sub3A_71 = arith.constant 1 : i32
        %sub3A_72 = arith.subi %add3A_70, %sub3A_71 : i32
        %lt3A = arith.constant 16 : i32
        %lt3A_73 = arith.cmpi slt, %sub3A_72, %lt3A : i32
        %convert_element_type3A = arith.extui %lt3A_73 : i1 to i32
        %cond3A = arith.constant 0 : i32
        %cond3A_74 = arith.cmpi ne, %convert_element_type3A, %cond3A : i32
        scf.if %cond3A_74 {
          %ge3A = arith.constant 2 : i32
          %ge3A_112 = arith.cmpi sge, %sub3A_72, %ge3A : i32
          %convert_element_type3A_113 = arith.extui %ge3A_112 : i1 to i32
          %cond3A_114 = arith.constant 0 : i32
          %cond3A_115 = arith.cmpi ne, %convert_element_type3A_113, %cond3A_114 : i32
          scf.if %cond3A_115 {
            %sub3A_122 = arith.constant 2 : i32
            %sub3A_123 = arith.subi %sub3A_72, %sub3A_122 : i32
            %dma_wait3A_124 = arith.constant 0 : i32
            %dma_wait3A_125 = tpu.memref_slice %arg8[%sub3A_123, %dma_wait3A_124] : memref<16x128xi32, #tpu.memory_space<vmem>> -> memref<1x128xi32, #tpu.memory_space<vmem>>
            %dma_wait3A_126 = tpu.memref_squeeze %dma_wait3A_125 : memref<1x128xi32, #tpu.memory_space<vmem>> -> memref<128xi32, #tpu.memory_space<vmem>>
            %dma_wait3A_127 = arith.constant 0 : i32
            %dma_wait3A_128 = arith.constant 0 : i32
            %dma_wait3A_129 = tpu.memref_slice %arg11[%dma_wait3A_127, %dma_wait3A_128] : memref<10240x128xf32, #tpu.memory_space<vmem_shared>> -> memref<10240x128xf32, #tpu.memory_space<vmem_shared>>
            tpu.wait_indirect_dma semaphore(%arg15 : memref<!tpu.dma_semaphore, #tpu.memory_space<semaphore_mem>>) src(%arg10 : memref<128x128xf32, #tpu.memory_space<vmem>>) dst(%dma_wait3A_129 : memref<10240x128xf32, #tpu.memory_space<vmem_shared>>)
          } else {
          }
          %dma_start3A_116 = arith.constant 0 : i32
          %dma_start3A_117 = tpu.memref_slice %arg7[%sub3A_72, %dma_start3A_116] : memref<16x128xi32, #tpu.memory_space<vmem>> -> memref<1x128xi32, #tpu.memory_space<vmem>>
          %dma_start3A_118 = tpu.memref_squeeze %dma_start3A_117 : memref<1x128xi32, #tpu.memory_space<vmem>> -> memref<128xi32, #tpu.memory_space<vmem>>
          %dma_start3A_119 = arith.constant 0 : i32
          %dma_start3A_120 = arith.constant 0 : i32
          %dma_start3A_121 = tpu.memref_slice %arg4[%dma_start3A_119, %dma_start3A_120] : memref<10240x128xf32, #tpu.memory_space<hbm>> -> memref<10240x128xf32, #tpu.memory_space<hbm>>
          tpu.enqueue_indirect_dma source(%dma_start3A_121 : memref<10240x128xf32, #tpu.memory_space<hbm>>) target(%arg10 : memref<128x128xf32, #tpu.memory_space<vmem>>) offsets(%dma_start3A_118 : memref<128xi32, #tpu.memory_space<vmem>>) semaphore(%arg13 : memref<!tpu.dma_semaphore, #tpu.memory_space<semaphore_mem>>)
        } else {
        }
        %dma_wait3A_75 = arith.constant 0 : i32
        %dma_wait3A_76 = tpu.memref_slice %arg7[%add3A_68, %dma_wait3A_75] : memref<16x128xi32, #tpu.memory_space<vmem>> -> memref<1x128xi32, #tpu.memory_space<vmem>>
        %dma_wait3A_77 = tpu.memref_squeeze %dma_wait3A_76 : memref<1x128xi32, #tpu.memory_space<vmem>> -> memref<128xi32, #tpu.memory_space<vmem>>
        %dma_wait3A_78 = arith.constant 0 : i32
        %dma_wait3A_79 = arith.constant 0 : i32
        %dma_wait3A_80 = tpu.memref_slice %arg4[%dma_wait3A_78, %dma_wait3A_79] : memref<10240x128xf32, #tpu.memory_space<hbm>> -> memref<10240x128xf32, #tpu.memory_space<hbm>>
        tpu.wait_indirect_dma semaphore(%arg12 : memref<!tpu.dma_semaphore, #tpu.memory_space<semaphore_mem>>) src(%dma_wait3A_80 : memref<10240x128xf32, #tpu.memory_space<hbm>>) dst(%arg9 : memref<128x128xf32, #tpu.memory_space<vmem>>)
        %dma_start3A_81 = arith.constant 0 : i32
        %dma_start3A_82 = tpu.memref_slice %arg8[%add3A_68, %dma_start3A_81] : memref<16x128xi32, #tpu.memory_space<vmem>> -> memref<1x128xi32, #tpu.memory_space<vmem>>
        %dma_start3A_83 = tpu.memref_squeeze %dma_start3A_82 : memref<1x128xi32, #tpu.memory_space<vmem>> -> memref<128xi32, #tpu.memory_space<vmem>>
        %dma_start3A_84 = arith.constant 0 : i32
        %dma_start3A_85 = arith.constant 0 : i32
        %dma_start3A_86 = tpu.memref_slice %arg11[%dma_start3A_84, %dma_start3A_85] : memref<10240x128xf32, #tpu.memory_space<vmem_shared>> -> memref<10240x128xf32, #tpu.memory_space<vmem_shared>>
        tpu.enqueue_indirect_dma source(%arg9 : memref<128x128xf32, #tpu.memory_space<vmem>>) target(%dma_start3A_86 : memref<10240x128xf32, #tpu.memory_space<vmem_shared>>) offsets(%dma_start3A_83 : memref<128xi32, #tpu.memory_space<vmem>>) semaphore(%arg14 : memref<!tpu.dma_semaphore, #tpu.memory_space<semaphore_mem>>) {add = true}
        %mul3A_87 = arith.constant 2 : i32
        %mul3A_88 = arith.muli %mul3A_87, %add3A_64 : i32
        %add3A_89 = arith.constant 1 : i32
        %add3A_90 = arith.addi %mul3A_88, %add3A_89 : i32
        %add3A_91 = arith.constant 2 : i32
        %add3A_92 = arith.addi %add3A_90, %add3A_91 : i32
        %sub3A_93 = arith.constant 1 : i32
        %sub3A_94 = arith.subi %add3A_92, %sub3A_93 : i32
        %lt3A_95 = arith.constant 16 : i32
        %lt3A_96 = arith.cmpi slt, %sub3A_94, %lt3A_95 : i32
        %convert_element_type3A_97 = arith.extui %lt3A_96 : i1 to i32
        %cond3A_98 = arith.constant 0 : i32
        %cond3A_99 = arith.cmpi ne, %convert_element_type3A_97, %cond3A_98 : i32
        scf.if %cond3A_99 {
          %ge3A = arith.constant 2 : i32
          %ge3A_112 = arith.cmpi sge, %sub3A_94, %ge3A : i32
          %convert_element_type3A_113 = arith.extui %ge3A_112 : i1 to i32
          %cond3A_114 = arith.constant 0 : i32
          %cond3A_115 = arith.cmpi ne, %convert_element_type3A_113, %cond3A_114 : i32
          scf.if %cond3A_115 {
            %sub3A_122 = arith.constant 2 : i32
            %sub3A_123 = arith.subi %sub3A_94, %sub3A_122 : i32
            %dma_wait3A_124 = arith.constant 0 : i32
            %dma_wait3A_125 = tpu.memref_slice %arg8[%sub3A_123, %dma_wait3A_124] : memref<16x128xi32, #tpu.memory_space<vmem>> -> memref<1x128xi32, #tpu.memory_space<vmem>>
            %dma_wait3A_126 = tpu.memref_squeeze %dma_wait3A_125 : memref<1x128xi32, #tpu.memory_space<vmem>> -> memref<128xi32, #tpu.memory_space<vmem>>
            %dma_wait3A_127 = arith.constant 0 : i32
            %dma_wait3A_128 = arith.constant 0 : i32
            %dma_wait3A_129 = tpu.memref_slice %arg11[%dma_wait3A_127, %dma_wait3A_128] : memref<10240x128xf32, #tpu.memory_space<vmem_shared>> -> memref<10240x128xf32, #tpu.memory_space<vmem_shared>>
            tpu.wait_indirect_dma semaphore(%arg14 : memref<!tpu.dma_semaphore, #tpu.memory_space<semaphore_mem>>) src(%arg9 : memref<128x128xf32, #tpu.memory_space<vmem>>) dst(%dma_wait3A_129 : memref<10240x128xf32, #tpu.memory_space<vmem_shared>>)
          } else {
          }
          %dma_start3A_116 = arith.constant 0 : i32
          %dma_start3A_117 = tpu.memref_slice %arg7[%sub3A_94, %dma_start3A_116] : memref<16x128xi32, #tpu.memory_space<vmem>> -> memref<1x128xi32, #tpu.memory_space<vmem>>
          %dma_start3A_118 = tpu.memref_squeeze %dma_start3A_117 : memref<1x128xi32, #tpu.memory_space<vmem>> -> memref<128xi32, #tpu.memory_space<vmem>>
          %dma_start3A_119 = arith.constant 0 : i32
          %dma_start3A_120 = arith.constant 0 : i32
          %dma_start3A_121 = tpu.memref_slice %arg4[%dma_start3A_119, %dma_start3A_120] : memref<10240x128xf32, #tpu.memory_space<hbm>> -> memref<10240x128xf32, #tpu.memory_space<hbm>>
          tpu.enqueue_indirect_dma source(%dma_start3A_121 : memref<10240x128xf32, #tpu.memory_space<hbm>>) target(%arg9 : memref<128x128xf32, #tpu.memory_space<vmem>>) offsets(%dma_start3A_118 : memref<128xi32, #tpu.memory_space<vmem>>) semaphore(%arg12 : memref<!tpu.dma_semaphore, #tpu.memory_space<semaphore_mem>>)
        } else {
        }
        %dma_wait3A_100 = arith.constant 0 : i32
        %dma_wait3A_101 = tpu.memref_slice %arg7[%add3A_90, %dma_wait3A_100] : memref<16x128xi32, #tpu.memory_space<vmem>> -> memref<1x128xi32, #tpu.memory_space<vmem>>
        %dma_wait3A_102 = tpu.memref_squeeze %dma_wait3A_101 : memref<1x128xi32, #tpu.memory_space<vmem>> -> memref<128xi32, #tpu.memory_space<vmem>>
        %dma_wait3A_103 = arith.constant 0 : i32
        %dma_wait3A_104 = arith.constant 0 : i32
        %dma_wait3A_105 = tpu.memref_slice %arg4[%dma_wait3A_103, %dma_wait3A_104] : memref<10240x128xf32, #tpu.memory_space<hbm>> -> memref<10240x128xf32, #tpu.memory_space<hbm>>
        tpu.wait_indirect_dma semaphore(%arg13 : memref<!tpu.dma_semaphore, #tpu.memory_space<semaphore_mem>>) src(%dma_wait3A_105 : memref<10240x128xf32, #tpu.memory_space<hbm>>) dst(%arg10 : memref<128x128xf32, #tpu.memory_space<vmem>>)
        %dma_start3A_106 = arith.constant 0 : i32
        %dma_start3A_107 = tpu.memref_slice %arg8[%add3A_90, %dma_start3A_106] : memref<16x128xi32, #tpu.memory_space<vmem>> -> memref<1x128xi32, #tpu.memory_space<vmem>>
        %dma_start3A_108 = tpu.memref_squeeze %dma_start3A_107 : memref<1x128xi32, #tpu.memory_space<vmem>> -> memref<128xi32, #tpu.memory_space<vmem>>
        %dma_start3A_109 = arith.constant 0 : i32
        %dma_start3A_110 = arith.constant 0 : i32
        %dma_start3A_111 = tpu.memref_slice %arg11[%dma_start3A_109, %dma_start3A_110] : memref<10240x128xf32, #tpu.memory_space<vmem_shared>> -> memref<10240x128xf32, #tpu.memory_space<vmem_shared>>
        tpu.enqueue_indirect_dma source(%arg10 : memref<128x128xf32, #tpu.memory_space<vmem>>) target(%dma_start3A_111 : memref<10240x128xf32, #tpu.memory_space<vmem_shared>>) offsets(%dma_start3A_108 : memref<128xi32, #tpu.memory_space<vmem>>) semaphore(%arg15 : memref<!tpu.dma_semaphore, #tpu.memory_space<semaphore_mem>>) {add = true}
      }
      %scan3A_46 = arith.constant 8 : i32
      %dma_wait3A = arith.constant 0 : i32
      %dma_wait3A_47 = arith.constant 0 : i32
      %dma_wait3A_48 = tpu.memref_slice %arg8[%dma_wait3A, %dma_wait3A_47] : memref<16x128xi32, #tpu.memory_space<vmem>> -> memref<1x128xi32, #tpu.memory_space<vmem>>
      %dma_wait3A_49 = tpu.memref_squeeze %dma_wait3A_48 : memref<1x128xi32, #tpu.memory_space<vmem>> -> memref<128xi32, #tpu.memory_space<vmem>>
      %dma_wait3A_50 = arith.constant 0 : i32
      %dma_wait3A_51 = arith.constant 0 : i32
      %dma_wait3A_52 = tpu.memref_slice %arg11[%dma_wait3A_50, %dma_wait3A_51] : memref<10240x128xf32, #tpu.memory_space<vmem_shared>> -> memref<10240x128xf32, #tpu.memory_space<vmem_shared>>
      tpu.wait_indirect_dma semaphore(%arg14 : memref<!tpu.dma_semaphore, #tpu.memory_space<semaphore_mem>>) src(%arg9 : memref<128x128xf32, #tpu.memory_space<vmem>>) dst(%dma_wait3A_52 : memref<10240x128xf32, #tpu.memory_space<vmem_shared>>)
      %dma_wait3A_53 = arith.constant 1 : i32
      %dma_wait3A_54 = arith.constant 0 : i32
      %dma_wait3A_55 = tpu.memref_slice %arg8[%dma_wait3A_53, %dma_wait3A_54] : memref<16x128xi32, #tpu.memory_space<vmem>> -> memref<1x128xi32, #tpu.memory_space<vmem>>
      %dma_wait3A_56 = tpu.memref_squeeze %dma_wait3A_55 : memref<1x128xi32, #tpu.memory_space<vmem>> -> memref<128xi32, #tpu.memory_space<vmem>>
      %dma_wait3A_57 = arith.constant 0 : i32
      %dma_wait3A_58 = arith.constant 0 : i32
      %dma_wait3A_59 = tpu.memref_slice %arg11[%dma_wait3A_57, %dma_wait3A_58] : memref<10240x128xf32, #tpu.memory_space<vmem_shared>> -> memref<10240x128xf32, #tpu.memory_space<vmem_shared>>
      tpu.wait_indirect_dma semaphore(%arg15 : memref<!tpu.dma_semaphore, #tpu.memory_space<semaphore_mem>>) src(%arg10 : memref<128x128xf32, #tpu.memory_space<vmem>>) dst(%dma_wait3A_59 : memref<10240x128xf32, #tpu.memory_space<vmem_shared>>)
    }
    "tpu.trace_stop"() : () -> ()
    "tpu.trace_start"() <{level = 10 : i32, message = "agg_drain"}> : () -> ()
    %barrier3A_30 = arith.constant 0 : index
    tpu.barrier barrier_id(%barrier3A_30)
    "tpu.region"() ({
      %run_scoped3A = tpu.sem_alloc : memref<!tpu.dma_semaphore, #tpu.memory_space<semaphore_mem>>
      %dma_start3A = arith.constant 0 : i32
      %dma_start3A_31 = arith.constant 0 : i32
      %dma_start3A_32 = tpu.memref_slice %arg6[%add3A, %dma_start3A, %dma_start3A_31] : memref<32x640x128xf32, #tpu.memory_space<hbm>> -> memref<1x640x128xf32, #tpu.memory_space<hbm>>
      %dma_start3A_33 = tpu.memref_squeeze %dma_start3A_32 : memref<1x640x128xf32, #tpu.memory_space<hbm>> -> memref<640x128xf32, #tpu.memory_space<hbm>>
      %dma_start3A_34 = arith.constant 0 : i32
      %dma_start3A_35 = tpu.memref_slice %arg11[%mul3A_13, %dma_start3A_34] : memref<10240x128xf32, #tpu.memory_space<vmem_shared>> -> memref<640x128xf32, #tpu.memory_space<vmem_shared>>
      tpu.enqueue_dma source(%dma_start3A_35 : memref<640x128xf32, #tpu.memory_space<vmem_shared>>) target(%dma_start3A_33 : memref<640x128xf32, #tpu.memory_space<hbm>>) target_semaphore(%run_scoped3A : memref<!tpu.dma_semaphore, #tpu.memory_space<semaphore_mem>>)
      %dma_wait3A = arith.constant 0 : i32
      %dma_wait3A_36 = arith.constant 0 : i32
      %dma_wait3A_37 = tpu.memref_slice %arg6[%add3A, %dma_wait3A, %dma_wait3A_36] : memref<32x640x128xf32, #tpu.memory_space<hbm>> -> memref<1x640x128xf32, #tpu.memory_space<hbm>>
      %dma_wait3A_38 = tpu.memref_squeeze %dma_wait3A_37 : memref<1x640x128xf32, #tpu.memory_space<hbm>> -> memref<640x128xf32, #tpu.memory_space<hbm>>
      %dma_wait3A_39 = arith.constant 0 : i32
      %dma_wait3A_40 = tpu.memref_slice %arg11[%mul3A_13, %dma_wait3A_39] : memref<10240x128xf32, #tpu.memory_space<vmem_shared>> -> memref<640x128xf32, #tpu.memory_space<vmem_shared>>
      tpu.wait_dma2 semaphore(%run_scoped3A : memref<!tpu.dma_semaphore, #tpu.memory_space<semaphore_mem>>) src(%dma_wait3A_40 : memref<640x128xf32, #tpu.memory_space<vmem_shared>>) dst(%dma_wait3A_38 : memref<640x128xf32, #tpu.memory_space<hbm>>)
      tpu.yield
    }) : () -> ()
    "tpu.trace_stop"() : () -> ()
    return
  }
}

module attributes {stable_mosaic.version = 14 : i64} {
  func.func @_scale_body(%arg0: i32, %arg1: memref<1x2x640x128xf32, #tpu.memory_space<vmem>>, %arg2: memref<640x128xf32, #tpu.memory_space<vmem>>, %arg3: memref<640x1xf32, #tpu.memory_space<vmem>>, %arg4: memref<640x128xf32, #tpu.memory_space<vmem>>) attributes {dimension_semantics = [#tpu.dimension_semantics<arbitrary>], iteration_bounds = array<i64: 16>, scalar_prefetch = 0 : i64, scratch_operands = 0 : i64, tpu.core_type = #tpu.core_type<tc>, window_params = [{transform_indices = @transform_0, window_bounds = array<i64: 1, 2, 640, 128>}, {transform_indices = @transform_1, window_bounds = array<i64: 640, 128>}, {transform_indices = @transform_2, window_bounds = array<i64: 640, 1>}, {transform_indices = @transform_3, window_bounds = array<i64: 640, 128>}]} {
    %get3A = arith.constant 0 : index
    %get3A_0 = arith.constant 0 : index
    %get3A_1 = arith.constant 0 : index
    %get3A_2 = arith.constant 0 : index
    %get3A_3 = vector.load %arg1[%get3A, %get3A_0, %get3A_1, %get3A_2] : memref<1x2x640x128xf32, #tpu.memory_space<vmem>>, vector<1x1x640x1xf32>
    %get3A_4 = vector.shape_cast %get3A_3 : vector<1x1x640x1xf32> to vector<640x1xf32>
    %get3A_5 = arith.constant 0 : index
    %get3A_6 = arith.constant 1 : index
    %get3A_7 = arith.constant 0 : index
    %get3A_8 = arith.constant 0 : index
    %get3A_9 = vector.load %arg1[%get3A_5, %get3A_6, %get3A_7, %get3A_8] : memref<1x2x640x128xf32, #tpu.memory_space<vmem>>, vector<1x1x640x1xf32>
    %get3A_10 = vector.shape_cast %get3A_9 : vector<1x1x640x1xf32> to vector<640x1xf32>
    %add3A = arith.addf %get3A_4, %get3A_10 : vector<640x1xf32>
    %add3A_11 = arith.constant 1.000000e+00 : f32
    %add3A_12 = vector.broadcast %add3A_11 : f32 to vector<640x1xf32>
    %add3A_13 = arith.addf %add3A, %add3A_12 : vector<640x1xf32>
    %rsqrt3A = math.rsqrt %add3A_13 : vector<640x1xf32>
    %swap3A = arith.constant 0 : index
    %swap3A_14 = arith.constant 0 : index
    %swap3A_15 = vector.load %arg3[%swap3A, %swap3A_14] : memref<640x1xf32, #tpu.memory_space<vmem>>, vector<640x1xf32>
    tpu.vector_store %arg3[%swap3A, %swap3A_14], %rsqrt3A {strides = array<i32>} : memref<640x1xf32, #tpu.memory_space<vmem>>, vector<640x1xf32>,
    %get3A_16 = arith.constant 0 : index
    %get3A_17 = arith.constant 0 : index
    %get3A_18 = vector.load %arg2[%get3A_16, %get3A_17] : memref<640x128xf32, #tpu.memory_space<vmem>>, vector<640x128xf32>
    %mul3A = vector.broadcast %rsqrt3A : vector<640x1xf32> to vector<640x128xf32>
    %mul3A_19 = arith.mulf %get3A_18, %mul3A : vector<640x128xf32>
    %swap3A_20 = arith.constant 0 : index
    %swap3A_21 = arith.constant 0 : index
    %swap3A_22 = vector.load %arg4[%swap3A_20, %swap3A_21] : memref<640x128xf32, #tpu.memory_space<vmem>>, vector<640x128xf32>
    tpu.vector_store %arg4[%swap3A_20, %swap3A_21], %mul3A_19 {strides = array<i32>} : memref<640x128xf32, #tpu.memory_space<vmem>>, vector<640x128xf32>,
    return
  }
  func.func @transform_0(%arg0: i32) -> (i32, i32, i32, i32) {
    %c0_i32 = arith.constant 0 : i32
    %c0_i32_0 = arith.constant 0 : i32
    %c0_i32_1 = arith.constant 0 : i32
    %c0_i32_2 = arith.constant 0 : i32
    return %arg0, %c0_i32, %c0_i32_0, %c0_i32_1 : i32, i32, i32, i32
  }
  func.func @transform_1(%arg0: i32) -> (i32, i32) {
    %c0_i32 = arith.constant 0 : i32
    %c0_i32_0 = arith.constant 0 : i32
    return %arg0, %c0_i32 : i32, i32
  }
  func.func @transform_2(%arg0: i32) -> (i32, i32) {
    %c0_i32 = arith.constant 0 : i32
    %c0_i32_0 = arith.constant 0 : i32
    return %arg0, %c0_i32 : i32, i32
  }
  func.func @transform_3(%arg0: i32) -> (i32, i32) {
    %c0_i32 = arith.constant 0 : i32
    %c0_i32_0 = arith.constant 0 : i32
    return %arg0, %c0_i32 : i32, i32
  }
}

module attributes {stable_mosaic.version = 14 : i64} {
  func.func @_mlp_body(%arg0: i32, %arg1: memref<1x2x640x128xf32, #tpu.memory_space<vmem>>, %arg2: memref<640x128xf32, #tpu.memory_space<vmem>>, %arg3: memref<640x1xf32, #tpu.memory_space<vmem>>, %arg4: memref<128x256xf32, #tpu.memory_space<vmem>>, %arg5: memref<1x256xf32, #tpu.memory_space<vmem>>, %arg6: memref<256x128xf32, #tpu.memory_space<vmem>>, %arg7: memref<1x128xf32, #tpu.memory_space<vmem>>, %arg8: memref<128x128xf32, #tpu.memory_space<vmem>>, %arg9: memref<1x128xf32, #tpu.memory_space<vmem>>, %arg10: memref<640x128xf32, #tpu.memory_space<vmem>>) attributes {dimension_semantics = [#tpu.dimension_semantics<arbitrary>], iteration_bounds = array<i64: 16>, scalar_prefetch = 0 : i64, scratch_operands = 0 : i64, tpu.core_type = #tpu.core_type<tc>, window_params = [{transform_indices = @transform_0, window_bounds = array<i64: 1, 2, 640, 128>}, {transform_indices = @transform_1, window_bounds = array<i64: 640, 128>}, {transform_indices = @transform_2, window_bounds = array<i64: 640, 1>}, {pipeline_mode = #tpu.pipeline_mode<synchronous>, transform_indices = @transform_3, window_bounds = array<i64: 128, 256>}, {pipeline_mode = #tpu.pipeline_mode<synchronous>, transform_indices = @transform_4, window_bounds = array<i64: 1, 256>}, {pipeline_mode = #tpu.pipeline_mode<synchronous>, transform_indices = @transform_5, window_bounds = array<i64: 256, 128>}, {pipeline_mode = #tpu.pipeline_mode<synchronous>, transform_indices = @transform_6, window_bounds = array<i64: 1, 128>}, {pipeline_mode = #tpu.pipeline_mode<synchronous>, transform_indices = @transform_7, window_bounds = array<i64: 128, 128>}, {pipeline_mode = #tpu.pipeline_mode<synchronous>, transform_indices = @transform_8, window_bounds = array<i64: 1, 128>}, {transform_indices = @transform_9, window_bounds = array<i64: 640, 128>}]} {
    %get3A = arith.constant 0 : index
    %get3A_0 = arith.constant 0 : index
    %get3A_1 = arith.constant 0 : index
    %get3A_2 = arith.constant 0 : index
    %get3A_3 = vector.load %arg1[%get3A, %get3A_0, %get3A_1, %get3A_2] : memref<1x2x640x128xf32, #tpu.memory_space<vmem>>, vector<1x1x640x128xf32>
    %get3A_4 = vector.shape_cast %get3A_3 : vector<1x1x640x128xf32> to vector<640x128xf32>
    %get3A_5 = arith.constant 0 : index
    %get3A_6 = arith.constant 1 : index
    %get3A_7 = arith.constant 0 : index
    %get3A_8 = arith.constant 0 : index
    %get3A_9 = vector.load %arg1[%get3A_5, %get3A_6, %get3A_7, %get3A_8] : memref<1x2x640x128xf32, #tpu.memory_space<vmem>>, vector<1x1x640x128xf32>
    %get3A_10 = vector.shape_cast %get3A_9 : vector<1x1x640x128xf32> to vector<640x128xf32>
    %add3A = arith.addf %get3A_4, %get3A_10 : vector<640x128xf32>
    %get3A_11 = arith.constant 0 : index
    %get3A_12 = arith.constant 0 : index
    %get3A_13 = vector.load %arg2[%get3A_11, %get3A_12] : memref<640x128xf32, #tpu.memory_space<vmem>>, vector<640x128xf32>
    %add3A_14 = arith.addf %add3A, %get3A_13 : vector<640x128xf32>
    %get3A_15 = arith.constant 0 : index
    %get3A_16 = arith.constant 0 : index
    %get3A_17 = vector.load %arg3[%get3A_15, %get3A_16] : memref<640x1xf32, #tpu.memory_space<vmem>>, vector<640x1xf32>
    %mul3A = vector.broadcast %get3A_17 : vector<640x1xf32> to vector<640x128xf32>
    %mul3A_18 = arith.mulf %add3A_14, %mul3A : vector<640x128xf32>
    %get3A_19 = arith.constant 0 : index
    %get3A_20 = arith.constant 0 : index
    %get3A_21 = vector.load %arg4[%get3A_19, %get3A_20] : memref<128x256xf32, #tpu.memory_space<vmem>>, vector<128x256xf32>
    %dot_general3A = arith.constant dense<0.000000e+00> : vector<640x256xf32>
    %dot_general3A_22 = tpu.matmul %mul3A_18, %get3A_21, %dot_general3A {dimension_numbers = #tpu.dot_dimension_numbers<[1], [0], [0], [1], [0, 0, 1, 1], [], []>, transpose_lhs_hint = false} : vector<640x128xf32>, vector<128x256xf32>, vector<640x256xf32> -> vector<640x256xf32>
    %get3A_23 = arith.constant 0 : index
    %get3A_24 = arith.constant 0 : index
    %get3A_25 = vector.load %arg5[%get3A_23, %get3A_24] : memref<1x256xf32, #tpu.memory_space<vmem>>, vector<1x256xf32>
    %add3A_26 = vector.broadcast %get3A_25 : vector<1x256xf32> to vector<640x256xf32>
    %add3A_27 = arith.addf %dot_general3A_22, %add3A_26 : vector<640x256xf32>
    %max3A = arith.constant 0.000000e+00 : f32
    %max3A_28 = vector.broadcast %max3A : f32 to vector<640x256xf32>
    %max3A_29 = arith.maximumf %add3A_27, %max3A_28 : vector<640x256xf32>
    %get3A_30 = arith.constant 0 : index
    %get3A_31 = arith.constant 0 : index
    %get3A_32 = vector.load %arg6[%get3A_30, %get3A_31] : memref<256x128xf32, #tpu.memory_space<vmem>>, vector<256x128xf32>
    %dot_general3A_33 = arith.constant dense<0.000000e+00> : vector<640x128xf32>
    %dot_general3A_34 = tpu.matmul %max3A_29, %get3A_32, %dot_general3A_33 {dimension_numbers = #tpu.dot_dimension_numbers<[1], [0], [0], [1], [0, 0, 1, 1], [], []>, transpose_lhs_hint = false} : vector<640x256xf32>, vector<256x128xf32>, vector<640x128xf32> -> vector<640x128xf32>
    %get3A_35 = arith.constant 0 : index
    %get3A_36 = arith.constant 0 : index
    %get3A_37 = vector.load %arg7[%get3A_35, %get3A_36] : memref<1x128xf32, #tpu.memory_space<vmem>>, vector<1x128xf32>
    %add3A_38 = vector.broadcast %get3A_37 : vector<1x128xf32> to vector<640x128xf32>
    %add3A_39 = arith.addf %dot_general3A_34, %add3A_38 : vector<640x128xf32>
    %max3A_40 = arith.constant 0.000000e+00 : f32
    %max3A_41 = vector.broadcast %max3A_40 : f32 to vector<640x128xf32>
    %max3A_42 = arith.maximumf %add3A_39, %max3A_41 : vector<640x128xf32>
    %get3A_43 = arith.constant 0 : index
    %get3A_44 = arith.constant 0 : index
    %get3A_45 = vector.load %arg8[%get3A_43, %get3A_44] : memref<128x128xf32, #tpu.memory_space<vmem>>, vector<128x128xf32>
    %dot_general3A_46 = arith.constant dense<0.000000e+00> : vector<640x128xf32>
    %dot_general3A_47 = tpu.matmul %max3A_42, %get3A_45, %dot_general3A_46 {dimension_numbers = #tpu.dot_dimension_numbers<[1], [0], [0], [1], [0, 0, 1, 1], [], []>, transpose_lhs_hint = false} : vector<640x128xf32>, vector<128x128xf32>, vector<640x128xf32> -> vector<640x128xf32>
    %get3A_48 = arith.constant 0 : index
    %get3A_49 = arith.constant 0 : index
    %get3A_50 = vector.load %arg9[%get3A_48, %get3A_49] : memref<1x128xf32, #tpu.memory_space<vmem>>, vector<1x128xf32>
    %add3A_51 = vector.broadcast %get3A_50 : vector<1x128xf32> to vector<640x128xf32>
    %add3A_52 = arith.addf %dot_general3A_47, %add3A_51 : vector<640x128xf32>
    %swap3A = arith.constant 0 : index
    %swap3A_53 = arith.constant 0 : index
    %swap3A_54 = vector.load %arg10[%swap3A, %swap3A_53] : memref<640x128xf32, #tpu.memory_space<vmem>>, vector<640x128xf32>
    tpu.vector_store %arg10[%swap3A, %swap3A_53], %add3A_52 {strides = array<i32>} : memref<640x128xf32, #tpu.memory_space<vmem>>, vector<640x128xf32>,
    return
  }
  func.func @transform_0(%arg0: i32) -> (i32, i32, i32, i32) {
    %c0_i32 = arith.constant 0 : i32
    %c0_i32_0 = arith.constant 0 : i32
    %c0_i32_1 = arith.constant 0 : i32
    %c0_i32_2 = arith.constant 0 : i32
    return %arg0, %c0_i32, %c0_i32_0, %c0_i32_1 : i32, i32, i32, i32
  }
  func.func @transform_1(%arg0: i32) -> (i32, i32) {
    %c0_i32 = arith.constant 0 : i32
    %c0_i32_0 = arith.constant 0 : i32
    return %arg0, %c0_i32 : i32, i32
  }
  func.func @transform_2(%arg0: i32) -> (i32, i32) {
    %c0_i32 = arith.constant 0 : i32
    %c0_i32_0 = arith.constant 0 : i32
    return %arg0, %c0_i32 : i32, i32
  }
  func.func @transform_3(%arg0: i32) -> (i32, i32) {
    %c0_i32 = arith.constant 0 : i32
    %c0_i32_0 = arith.constant 0 : i32
    %c0_i32_1 = arith.constant 0 : i32
    return %c0_i32, %c0_i32_0 : i32, i32
  }
  func.func @transform_4(%arg0: i32) -> (i32, i32) {
    %c0_i32 = arith.constant 0 : i32
    %c0_i32_0 = arith.constant 0 : i32
    %c0_i32_1 = arith.constant 0 : i32
    return %c0_i32, %c0_i32_0 : i32, i32
  }
  func.func @transform_5(%arg0: i32) -> (i32, i32) {
    %c0_i32 = arith.constant 0 : i32
    %c0_i32_0 = arith.constant 0 : i32
    %c0_i32_1 = arith.constant 0 : i32
    return %c0_i32, %c0_i32_0 : i32, i32
  }
  func.func @transform_6(%arg0: i32) -> (i32, i32) {
    %c0_i32 = arith.constant 0 : i32
    %c0_i32_0 = arith.constant 0 : i32
    %c0_i32_1 = arith.constant 0 : i32
    return %c0_i32, %c0_i32_0 : i32, i32
  }
  func.func @transform_7(%arg0: i32) -> (i32, i32) {
    %c0_i32 = arith.constant 0 : i32
    %c0_i32_0 = arith.constant 0 : i32
    %c0_i32_1 = arith.constant 0 : i32
    return %c0_i32, %c0_i32_0 : i32, i32
  }
  func.func @transform_8(%arg0: i32) -> (i32, i32) {
    %c0_i32 = arith.constant 0 : i32
    %c0_i32_0 = arith.constant 0 : i32
    %c0_i32_1 = arith.constant 0 : i32
    return %c0_i32, %c0_i32_0 : i32, i32
  }
  func.func @transform_9(%arg0: i32) -> (i32, i32) {
    %c0_i32 = arith.constant 0 : i32
    %c0_i32_0 = arith.constant 0 : i32
    return %arg0, %c0_i32 : i32, i32
  }
}

</mosaic_0001>

<sc_bundles>
// kernel: kernel.6.cloned.1.call-start
scs
__scs_entry_jumppad:
0x0: {  	(pc) =	sbr.rel $0x88, $3  }
0x1: {  	(tag) =	ssettag $0x0;
	lr =	simm.s32 $0x1  }
0x2: {  	[smem:$0x3F99] =	sst lr;
	_ =	strace $0xD0000000  }
0x3: {  	_ = 	snop  }
0x4: {  	_ = 	snop  }
0x5: {  	_ = 	snop  }
0x6: {  	_ = 	snop  }
0x7: {  	_ = 	snop  }
__scs_overlays_trampoline_lowered:
0x8: {  	[smem:$0x3FA8] =	sst s0  }
0x9: {  	[smem:$0x3FA9] =	sst s1  }
0xa: {  	[smem:$0x3FAA] =	sst s2  }
0xb: {  	[smem:$0x3FAB] =	sst s3  }
0xc: {  	[smem:$0x3FAC] =	sst s4  }
0xd: {  	[smem:$0x3FAD] =	sst s5  }
0xe: {  	[smem:$0x3FAE] =	sst s6  }
0xf: {  	[smem:$0x3FAF] =	sst s7  }
0x10: {  	[smem:$0x3FB0] =	sst s8  }
0x11: {  	[smem:$0x3FB1] =	sst s9;
	s0 =	simm.s32 @!p0 $0x0  }
0x12: {  	s1 =	sld [smem:$0x3F97];
	s0 =	simm.s32 @p0 $0x1  }
0x13: {  	[smem:$0x3FB2] =	sst s0;
	s0 =	simm.s32 @!p1 $0x0  }
0x14: {  	s2 =	sld [smem:$0x3F96];
	s0 =	simm.s32 @p1 $0x1  }
0x15: {  	[smem:$0x3FB3] =	sst s0;
	s0 =	simm.s32 @!p2 $0x0  }
0x16: {  	s3 =	sld [smem:$0x3FDB];
	s0 =	simm.s32 @p2 $0x1  }
0x17: {  	s4 =	simm.s32 $0x1BF5;
	[smem:$0x3FB5] =	sst s0  }
0x18: {  	s0 =	sld [smem:$0x3F98];
	_ =	swait.ge [sflag:s4], $0x0  }
0x19: {  	s7 =	sld [smem:$0x3F99]  }
0x1a: {  	s8 =	sadd.s32 $0xFFFFE003, lr  }
0x1b: {  	s9 =	sadd.s32 $0xFFFFFEF7, lr;
	s5 =	simm.s32 $0xFFFFFFFF;
	p2 =	slt.u32 s8, $0xFFFFF086  }
0x1c: {  	p1 =	slt.u32 s9, $0xF7A;
	s5 =	simm.s32 @!p2 $0x0  }
0x1d: {  	s5 =	simm.s32 @p1 $0x1;
	p0 =	seq.s32 s7, s2  }
0x1e: {  	s7 =	smul.u32 @!p0 $0xF7A, s2;
	p2 =	seq.s32 @!p0 s5, $0x0  }
0x1f: {  	s9 =	smul.u32 $0xF7A, s1;
	s8 =	simm.s32 @!p0 $0x1BF5;
	p2 =	por !p2, p0  }
0x20: {  	[sflag:s8] =	ssyncset.s32 @!p0 $0xFFFFF086;
	s6 =	sadd.s32 @!p0 s3, s7;
	s7 =	simm.s32 @!p0 $0x108  }
0x21: {  	s3 =	sadd.s32 s3, s9;
	s6 =	sadd.s32 @!p0 $0x88, s6;
	s7 =	simm.s32 @p2 $0x1082  }
0x22: {  	[simem:s7], [sflag:s8] =	dma.local @!p0 [hbm:s6], $0xF7A  }
0x23: {  	s9 =	sor.u32 $0xD0000000, s2;
	s6 =	simm.s32 $0x108;
	_ =	swait.ge @!p0 [sflag:s8], $0x0  }
0x24: {  	s3 =	sadd.s32 $0x88, s3;
	s6 =	simm.s32 @!p1 $0x1082;
	[sflag:s4] =	ssyncset.s32 $0xFFFFF086  }
0x25: {  	[simem:s6], [sflag:s4] =	dma.local [hbm:s3], $0xF7A  }
0x26: {  	[smem:$0x3F99] =	sst s1;
	(tag) =	ssettag s2;
	_ =	strace s9  }
0x27: {  	s1 =	sld [smem:$0x3FA9]  }
0x28: {  	s2 =	sld [smem:$0x3FAA]  }
0x29: {  	s4 =	sld [smem:$0x3FAC]  }
0x2a: {  	p0 =	seq.s32 s5, $0x0;
	s5 =	sld [smem:$0x3FAD]  }
0x2b: {  	s6 =	sld [smem:$0x3FAE]  }
0x2c: {  	s7 =	sld [smem:$0x3FAF]  }
0x2d: {  	s3 =	simm.s32 $0x108;
	s8 =	sld [smem:$0x3FB0]  }
0x2e: {  	s3 =	simm.s32 @!p0 $0x1082;
	s9 =	sld [smem:$0x3FB1]  }
0x2f: {  	lr =	sadd.s32 s0, s3;
	s0 =	sld [smem:$0x3FA8]  }
0x30: {  	s3 =	sld [smem:$0x3FAB]  }
0x31: {  	[smem:$0x3FB4] =	sst s10  }
0x32: {  	s10 =	sld [smem:$0x3FB2];
	_ =	sdelay $0x3  }
0x33: {  	p0 =	seq.s32 s10, $0x1;
	s10 =	sld [smem:$0x3FB4];
	_ =	sdelay $0x3  }
0x34: {  	[smem:$0x3FB4] =	sst s10  }
0x35: {  	s10 =	sld [smem:$0x3FB3];
	_ =	sdelay $0x3  }
0x36: {  	p1 =	seq.s32 s10, $0x1;
	s10 =	sld [smem:$0x3FB4];
	_ =	sdelay $0x3  }
0x37: {  	[smem:$0x3FB4] =	sst s10  }
0x38: {  	s10 =	sld [smem:$0x3FB5]  }
0x39: {  	_ = 	snop;
	(pc) =	sbr.ind lr, $3  }
0x3a: {  	_ = 	snop  }
0x3b: {  	_ = 	snop  }
0x3c: {  	p2 =	seq.s32 s10, $0x1;
	s10 =	sld [smem:$0x3FB4]  }
0x3d: {  	_ =	shalt  }
0x3e: {  	_ =	shalt  }
0x3f: {  	_ =	shalt  }
0x40: {  	_ =	shalt  }
0x41: {  	_ =	shalt  }
0x42: {  	_ =	shalt  }
0x43: {  	_ =	shalt  }
0x44: {  	_ =	shalt  }
0x45: {  	_ =	shalt  }
0x46: {  	_ =	shalt  }
0x47: {  	_ =	shalt  }
0x48: {  	_ =	shalt  }
0x49: {  	_ =	shalt  }
0x4a: {  	_ =	shalt  }
0x4b: {  	_ =	shalt  }
0x4c: {  	_ =	shalt  }
0x4d: {  	_ =	shalt  }
0x4e: {  	_ =	shalt  }
0x4f: {  	_ =	shalt  }
0x50: {  	_ =	shalt  }
0x51: {  	_ =	shalt  }
0x52: {  	_ =	shalt  }
0x53: {  	_ =	shalt  }
0x54: {  	_ =	shalt  }
0x55: {  	_ =	shalt  }
0x56: {  	_ =	shalt  }
0x57: {  	_ =	shalt  }
0x58: {  	_ =	shalt  }
0x59: {  	_ =	shalt  }
0x5a: {  	_ =	shalt  }
0x5b: {  	_ =	shalt  }
0x5c: {  	_ =	shalt  }
0x5d: {  	_ =	shalt  }
0x5e: {  	_ =	shalt  }
0x5f: {  	_ =	shalt  }
0x60: {  	_ =	shalt  }
0x61: {  	_ =	shalt  }
0x62: {  	_ =	shalt  }
0x63: {  	_ =	shalt  }
0x64: {  	_ =	shalt  }
0x65: {  	_ =	shalt  }
0x66: {  	_ =	shalt  }
0x67: {  	_ =	shalt  }
0x68: {  	_ =	shalt  }
0x69: {  	_ =	shalt  }
0x6a: {  	_ =	shalt  }
0x6b: {  	_ =	shalt  }
0x6c: {  	_ =	shalt  }
0x6d: {  	_ =	shalt  }
0x6e: {  	_ =	shalt  }
0x6f: {  	_ =	shalt  }
0x70: {  	_ =	shalt  }
0x71: {  	_ =	shalt  }
0x72: {  	_ =	shalt  }
0x73: {  	_ =	shalt  }
0x74: {  	_ =	shalt  }
0x75: {  	_ =	shalt  }
0x76: {  	_ =	shalt  }
0x77: {  	_ =	shalt  }
0x78: {  	_ =	shalt  }
0x79: {  	_ =	shalt  }
0x7a: {  	_ =	shalt  }
0x7b: {  	_ =	shalt  }
0x7c: {  	_ =	shalt  }
0x7d: {  	_ =	shalt  }
0x7e: {  	_ =	shalt  }
0x7f: {  	_ =	shalt  }
0x80: {  	_ =	shalt  }
0x81: {  	_ =	shalt  }
0x82: {  	_ =	shalt  }
0x83: {  	_ =	shalt  }
0x84: {  	_ =	shalt  }
0x85: {  	_ =	shalt  }
0x86: {  	_ =	shalt  }
0x87: {  	_ =	shalt  }
.Lfunc_end0:
.L_simem_size_0:
called_computation_lowered:
.L_overlay_start_0:
0x88: {  	s2 =	sld [smem:$0x3FD9]  }
0x89: {  	s3 =	sld [smem:$0x3FFE];
	_ =	sdelay $0x1  }
0x8a: {  	s1 =	srdreg.scid  }
0x8b: {  	s0 =	sand.u32 $0x1, s1  }
0x8c: {  	s16 =	sshll.u32 s0, $0xA;
	s2 =	sadd.s32 s3, s2  }
0x8d: {  	s2 =	sadd.s32 s2, s16  }
0x8e: {  	[smem:$0x3FC0] =	sst s2  }
0x8f: {  	_ = 	snop  }
0x90: {  	(tm) =	ssettm $0x1  }
0x91: {  	s17 =	sld [smem:$0x3FFB];
	_ =	sdelay $0x3  }
0x92: {  	_ =	strace s17  }
0x93: {  	s2 =	sld [smem:$0x3FFC];
	_ =	sdelay $0x3  }
0x94: {  	_ =	strace s2  }
0x95: {  	s2 =	sld [smem:$0x3FFD];
	_ =	sdelay $0x3  }
0x96: {  	_ =	strace s2  }
0x97: {  	_ =	strace $0x8FFFFFFF  }
0x98: {  	s18 =	sld [smem:$0x3FDB];
	_ =	sdelay $0x1  }
0x99: {  	s19 =	simm.s32 $_scs_section_size  }
0x9a: {  	s4 =	simm.s32 $_size__tile_overlayer_lowered;
	s5 =	simm.s32 $_tile_overlayer_lowered  }
0x9b: {  	s22 =	simm.s32 $0x1BFF;
	s21 =	sshll.u32 s5, $0x1;
	s2 =	sadd.s32 s19, s18  }
0x9c: {  	s6 =	simm.s32 $0x0;
	s20 =	sshll.u32 s4, $0x1;
	s4 =	sadd.s32 s21, s2  }
0x9d: {  	[timem:s6], [sflag:s22] =	dma.local [hbm:s4], s20  }
0x9e: {  	_ =	swait.ge [sflag:s22], s20  }
0x9f: {  	s3 =	ssub.s32 $0x0, s20;
	[sflag:s22] =	ssyncset.done $0x0  }
0xa0: {  	[sflag:s22] =	ssyncadd.s32 s3;
	_ =	sdelay $0x1  }
0xa1: {  	s23 =	simm.s32 $0x1B8B  }
0xa2: {  	_ =	swait.ge [sflag:s23], $0x1  }
0xa3: {  	[sflag:s23] =	ssyncset.done $0x0  }
0xa4: {  	s25 =	simm.s32 $0x1B8E;
	s24 =	sld [smem:$0x3FFE];
	[sflag:s23] =	ssyncadd.s32 $0xFFFFFFFF  }
0xa5: {  	s26 =	simm.s32 $execute0_lowered;
	[smem:$0x3FD2] =	sst s25  }
0xa6: {  	s4 =	sshll.u32 s26, $0x1;
	_ =	strace $0x80000046;
	[dreg:$0x1] =	wrdreg $0xFFFFFFFF  }
0xa7: {  	s28 =	simm.s32 $_size_execute0_lowered;
	s2 =	sadd.s32 s2, s4;
	[dreg:$0x0] =	wrdreg $0x0  }
0xa8: {  	s4 =	sshll.u32 s28, $0x1;
	[dreg:$0x2] =	wrdreg s2  }
0xa9: {  	[dreg:$0x3] =	wrdreg s4  }
0xaa: {  	[dreg:$0x4] =	wrdreg $0xC0  }
0xab: {  	_ =	task [dreg:s6], $0x5FFFF  }
0xac: {  	[dreg:$0x1] =	wrdreg $0xFFFFFFFF  }
0xad: {  	[dreg:$0x0] =	wrdreg $0x60  }
0xae: {  	[dreg:$0x2] =	wrdreg s24  }
0xaf: {  	[dreg:$0x3] =	wrdreg $0x68000  }
0xb0: {  	[dreg:$0x4] =	wrdreg $0x9  }
0xb1: {  	_ =	task.clear_ibuf [dreg:s6], $0x5FFFF;
	_ =	strace $0x90000046  }
0xb2: {  	s29 =	simm.s32 $0x9;
	_ =	strace $0x80000048  }
0xb3: {  	_ =	swait.ge [sflag:s29], $0x1  }
0xb4: {  	[sflag:s29] =	ssyncadd.s32 $0xFFFFFFFF  }
0xb5: {  	_ =	strace $0x90000048  }
0xb6: {  	_ =	sfence  }
0xb7: {  	s30 =	sld [smem:$0x0];
	_ =	sdelay $0x2  }
0xb8: {  	s31 =	sshll.u32 s1, $0xD;
	s1 =	sshrl.u32 s1, $0x2  }
0xb9: {  	s3 =	sand.u32 $0x4000, s31;
	s1 =	sadd.s32 s1, s30  }
0xba: {  	s0 =	sor.u32 s3, s0;
	s1 =	sshll.u32 s1, $0x11  }
0xbb: {  	s0 =	sor.u32 s1, s0  }
0xbc: {  	s0 =	sadd.s32 $0x8F2B, s0  }
0xbd: {  	[sflag:s0] =	ssyncadd.remote.s32 $0x1  }
0xbe: {  	_ =	sfence.sel $0xFFFF  }
0xbf: {  	[dreg:$0x0] =	wrdreg $0xFFFFFFFF;
	(pc) =	sbr.abs _section_cstart, $3  }
0xc0: {  	[dreg:$0x1] =	wrdreg $0xFFFFFFFF  }
0xc1: {  	_ =	task.clear_ibuf [dreg:s6], $0x2FFFF;
	_ =	strace $0x9FFFFFFF  }
0xc2: {  	(tm) =	ssettm $0x7FFFFFFF  }
0xc3: {  	_ =	shalt  }
tec
execute0_lowered:
.L_overlay_start_1:
0x0: {  	(tag) =	ssettag $0x1  }
0x1: {  	s1 =	srdreg.scid  }
0x2: {  	s0 =	stileid.u32;
	s5 =	rddreg [dreg:$0x0]  }
0x3: {  	s2 =	rddreg [dreg:$0x1];
	s3 =	simm.s32 $0x0;
	s13 =	simm.s32 $0x80  }
0x4: {  	s14 =	simm.s32 $0x1;
	s15 =	simm.s32 $0x0;
	s4 =	sand.u32 $0x1, s1  }
0x5: {  	s28 =	sshll.u32 s0, $0x1;
	s1 =	rddreg [dreg:$0x2];
	s8 =	smul.u32 $0x2800, s0  }
0x6: {  	[smem:$0x7FF] =	sst s3;
	s10 =	smul.u32 $0x50000, s0;
	s6 =	sor.u32 s4, s28  }
0x7: {  	s31 =	sshll.u32 s0, $0x6;
	_ =	strace $0x80000047;
	s7 =	smul.u32 $0x500, s6  }
0x8: {  	s9 =	ssub.s32 $0x2, s4;
	s4 =	sadd.s32 $0xC400, s5;
	s6 =	smul.u32 $0x2800, s6  }
0x9: {  	s8 =	sadd.s32 s8, s5;
	s29 =	sshrl.u32 s9, $0x1;
	s30 =	sshrl.u32 s10, $0x2  }
0xa: {  	s10 =	simm.s32 $0x2800;
	s9 =	ssub.s32 s9, s29;
	s12 =	sadd.s32 s30, s2  }
0xb: {  	s7 =	sadd.s32 s7, s5;
	s11 =	sadd.s32 s6, s5;
	s6 =	sadd.s32 $0xCC00, s8  }
0xc: {  	s8 =	smax.u32 s9, $0x1;
	s9 =	simm.s32 $0x2;
	s12 =	sshrl.u32 s12, $0x3  }
0xd: {  	s5 =	sadd.s32 $0x2400, s7;
	s7 =	sadd.s32 $0x34C00, s11;
	s11 =	sor.u32 $0x1C02, s31  }
.LBB2_1:
0xe: {  	[tilespmem:s3], [sflag:$0x2] =	stream.linear.gather [hbm4b:s5+s3], $0x2800, $0x38;
	[tilespmem:$0x1A800] =	vst v63  }
0xf: {  	_ =	swait.ge [sflag:s9], $0x2800  }
0x10: {  	[sflag:s9] =	ssyncset.done $0x0  }
0x11: {  	[sflag:s9] =	ssyncadd.s32 $0xFFFFD800  }
0x12: {  	[tilespmem:s10], [sflag:$0x2] =	stream.linear.gather [hbm4b:s4+s3], $0x4000, $0x38;
	[tilespmem:$0x1A800] =	vst v63  }
0x13: {  	_ =	swait.ge [sflag:s9], $0x4000  }
0x14: {  	[sflag:s9] =	ssyncset.done $0x0  }
0x15: {  	[sflag:s9] =	ssyncadd.s32 $0xFFFFC000  }
0x16: {  	[spmem:s12], [sflag:s11] =	dma.local [hbm:s6], $0x2800  }
0x17: {  	_ =	swait.ge [sflag:s9], $0x2800  }
0x18: {  	[sflag:s9] =	ssyncset.done $0x0  }
0x19: {  	[sflag:s9] =	ssyncadd.s32 $0xFFFFD800  }
0x1a: {  	s16 =	simm.s32 $0x0;
	[bflag:$0x0] =	sbarrier.arrive $0xFFFF  }
.LBB2_2:
0x1b: {  	p0 =	sne.s32 s16, $0x9E00  }
.Ltmp0:
0x1c: {  	_ = 	snop;
	(pc) =	sbr.rel @p0 .LBB2_2-.Ltmp0, $3  }
0x1d: {  	_ =	sdelay $0x1  }
0x1e: {  	s17 =	sshra.s32 s16, $0x2;
	s16 =	sadd.s32 $0x200, s16  }
0x1f: {  	[spmem:s2] =	stream.indirect.scatter.add.f32 [tilespmem:s10], [sflag:$0x1], $0x80, s17, s13, $0xb8;
	[tilespmem:$0x1A800] =	vst v63  }
0x20: {  	_ =	swait.ge [sflag:s14], $0x4000  }
0x21: {  	s16 =	simm.s32 $0x4F;
	[sflag:s14] =	ssyncset.done $0x0  }
.LBB2_4:
0x22: {  	p0 =	sne.s32 s16, $0x1;
	s16 =	sadd.s32 $0xFFFFFFFF, s16;
	[sflag:s14] =	ssyncadd.s32 $0xFFFFC000  }
.Ltmp1:
0x23: {  	(pc) =	sbr.rel @p0 .LBB2_4-.Ltmp1, $3  }
0x24: {  	_ =	sdelay $0x1  }
0x25: {  	_ =	swait.ge [sflag:s14], $0x4000  }
0x26: {  	[sflag:s14] =	ssyncset.done $0x0  }
0x27: {  	s15 =	sadd.s32 $0x1, s15  }
0x28: {  	[sflag:s14] =	ssyncadd.s32 $0xFFFFC000;
	p0 =	sne.s32 s15, s8  }
.Ltmp2:
0x29: {  	[bflag:$0x0] =	sbarrier.arrive $0xFFFF;
	(pc) =	sbr.rel @p0 .LBB2_1-.Ltmp2, $4  }
0x2a: {  	[hbm:s7], [sflag:s11] =	dma.local [spmem:s12], $0x2800  }
0x2b: {  	_ =	swait.ge [sflag:s9], $0x2800  }
0x2c: {  	[sflag:s9] =	ssyncset.done $0x0  }
0x2d: {  	[sflag:s9] =	ssyncadd.s32 $0xFFFFD800  }
0x2e: {  	_ =	sfence.sel $0x180000  }
0x2f: {  	[bflag:$0x0] =	sbarrier.arrive $0xFFFF  }
0x30: {  	p0 =	sne.s32 s0, $0x0;
	_ =	strace $0x90000047  }
0x31: {  	s0 =	sadd.s32 @!p0 $0x100000, s1;
	[bflag:$0x2] =	sbarrier.arrive $0xFFFF  }
0x32: {  	[sflag:s0] =	ssyncadd.tile.s32 @!p0 $0x1;
	_ =	shalt  }
.Lfunc_end2:
_tile_overlayer_lowered:
.L_overlay_start_2:
0x33: {  	(tag) =	ssettag $0x2  }
0x34: {  	s0 =	rddreg [dreg:$0x0];
	s2 =	stileid.u32  }
0x35: {  	s1 =	rddreg [dreg:$0x1];
	p0 =	sne.s32 s2, $0x0  }
0x36: {  	s3 =	rddreg [dreg:$0x2];
	[bflag:$0x3] =	sbarrier.arrive $0xFFFF;
	s2 =	simm.s32 @!p0 $0x1C02  }
0x37: {  	[timem:s3], [sflag:s2] =	dma.local @!p0 [hbm:s0], s1  }
0x38: {  	s0 =	simm.s32 @!p0 $0x2  }
0x39: {  	_ =	swait.ge @!p0 [sflag:s0], s1  }
0x3a: {  	s1 =	ssub.s32 @!p0 $0x0, s1;
	[sflag:s0] =	ssyncset.done @!p0 $0x0  }
0x3b: {  	[sflag:s0] =	ssyncadd.s32 @!p0 s1  }
0x3c: {  	[bflag:$0x3] =	sbarrier.arrive $0xFFFF  }
0x3d: {  	_ =	shalt  }

// kernel: kernel.9.cloned.1.call-start
scs
__scs_entry_jumppad:
0x0: {  	(pc) =	sbr.rel $0x88, $3  }
0x1: {  	(tag) =	ssettag $0x0;
	lr =	simm.s32 $0x1  }
0x2: {  	[smem:$0x3F99] =	sst lr;
	_ =	strace $0xD0000000  }
0x3: {  	_ = 	snop  }
0x4: {  	_ = 	snop  }
0x5: {  	_ = 	snop  }
0x6: {  	_ = 	snop  }
0x7: {  	_ = 	snop  }
__scs_overlays_trampoline_lowered:
0x8: {  	[smem:$0x3FA8] =	sst s0  }
0x9: {  	[smem:$0x3FA9] =	sst s1  }
0xa: {  	[smem:$0x3FAA] =	sst s2  }
0xb: {  	[smem:$0x3FAB] =	sst s3  }
0xc: {  	[smem:$0x3FAC] =	sst s4  }
0xd: {  	[smem:$0x3FAD] =	sst s5  }
0xe: {  	[smem:$0x3FAE] =	sst s6  }
0xf: {  	[smem:$0x3FAF] =	sst s7  }
0x10: {  	[smem:$0x3FB0] =	sst s8  }
0x11: {  	[smem:$0x3FB1] =	sst s9;
	s0 =	simm.s32 @!p0 $0x0  }
0x12: {  	s1 =	sld [smem:$0x3F97];
	s0 =	simm.s32 @p0 $0x1  }
0x13: {  	[smem:$0x3FB2] =	sst s0;
	s0 =	simm.s32 @!p1 $0x0  }
0x14: {  	s2 =	sld [smem:$0x3F96];
	s0 =	simm.s32 @p1 $0x1  }
0x15: {  	[smem:$0x3FB3] =	sst s0;
	s0 =	simm.s32 @!p2 $0x0  }
0x16: {  	s3 =	sld [smem:$0x3FDB];
	s0 =	simm.s32 @p2 $0x1  }
0x17: {  	s4 =	simm.s32 $0x1BF5;
	[smem:$0x3FB5] =	sst s0  }
0x18: {  	s0 =	sld [smem:$0x3F98];
	_ =	swait.ge [sflag:s4], $0x0  }
0x19: {  	s7 =	sld [smem:$0x3F99]  }
0x1a: {  	s8 =	sadd.s32 $0xFFFFE003, lr  }
0x1b: {  	s9 =	sadd.s32 $0xFFFFFEF7, lr;
	s5 =	simm.s32 $0xFFFFFFFF;
	p2 =	slt.u32 s8, $0xFFFFF086  }
0x1c: {  	p1 =	slt.u32 s9, $0xF7A;
	s5 =	simm.s32 @!p2 $0x0  }
0x1d: {  	s5 =	simm.s32 @p1 $0x1;
	p0 =	seq.s32 s7, s2  }
0x1e: {  	s7 =	smul.u32 @!p0 $0xF7A, s2;
	p2 =	seq.s32 @!p0 s5, $0x0  }
0x1f: {  	s9 =	smul.u32 $0xF7A, s1;
	s8 =	simm.s32 @!p0 $0x1BF5;
	p2 =	por !p2, p0  }
0x20: {  	[sflag:s8] =	ssyncset.s32 @!p0 $0xFFFFF086;
	s6 =	sadd.s32 @!p0 s3, s7;
	s7 =	simm.s32 @!p0 $0x108  }
0x21: {  	s3 =	sadd.s32 s3, s9;
	s6 =	sadd.s32 @!p0 $0x88, s6;
	s7 =	simm.s32 @p2 $0x1082  }
0x22: {  	[simem:s7], [sflag:s8] =	dma.local @!p0 [hbm:s6], $0xF7A  }
0x23: {  	s9 =	sor.u32 $0xD0000000, s2;
	s6 =	simm.s32 $0x108;
	_ =	swait.ge @!p0 [sflag:s8], $0x0  }
0x24: {  	s3 =	sadd.s32 $0x88, s3;
	s6 =	simm.s32 @!p1 $0x1082;
	[sflag:s4] =	ssyncset.s32 $0xFFFFF086  }
0x25: {  	[simem:s6], [sflag:s4] =	dma.local [hbm:s3], $0xF7A  }
0x26: {  	[smem:$0x3F99] =	sst s1;
	(tag) =	ssettag s2;
	_ =	strace s9  }
0x27: {  	s1 =	sld [smem:$0x3FA9]  }
0x28: {  	s2 =	sld [smem:$0x3FAA]  }
0x29: {  	s4 =	sld [smem:$0x3FAC]  }
0x2a: {  	p0 =	seq.s32 s5, $0x0;
	s5 =	sld [smem:$0x3FAD]  }
0x2b: {  	s6 =	sld [smem:$0x3FAE]  }
0x2c: {  	s7 =	sld [smem:$0x3FAF]  }
0x2d: {  	s3 =	simm.s32 $0x108;
	s8 =	sld [smem:$0x3FB0]  }
0x2e: {  	s3 =	simm.s32 @!p0 $0x1082;
	s9 =	sld [smem:$0x3FB1]  }
0x2f: {  	lr =	sadd.s32 s0, s3;
	s0 =	sld [smem:$0x3FA8]  }
0x30: {  	s3 =	sld [smem:$0x3FAB]  }
0x31: {  	[smem:$0x3FB4] =	sst s10  }
0x32: {  	s10 =	sld [smem:$0x3FB2];
	_ =	sdelay $0x3  }
0x33: {  	p0 =	seq.s32 s10, $0x1;
	s10 =	sld [smem:$0x3FB4];
	_ =	sdelay $0x3  }
0x34: {  	[smem:$0x3FB4] =	sst s10  }
0x35: {  	s10 =	sld [smem:$0x3FB3];
	_ =	sdelay $0x3  }
0x36: {  	p1 =	seq.s32 s10, $0x1;
	s10 =	sld [smem:$0x3FB4];
	_ =	sdelay $0x3  }
0x37: {  	[smem:$0x3FB4] =	sst s10  }
0x38: {  	s10 =	sld [smem:$0x3FB5]  }
0x39: {  	_ = 	snop;
	(pc) =	sbr.ind lr, $3  }
0x3a: {  	_ = 	snop  }
0x3b: {  	_ = 	snop  }
0x3c: {  	p2 =	seq.s32 s10, $0x1;
	s10 =	sld [smem:$0x3FB4]  }
0x3d: {  	_ =	shalt  }
0x3e: {  	_ =	shalt  }
0x3f: {  	_ =	shalt  }
0x40: {  	_ =	shalt  }
0x41: {  	_ =	shalt  }
0x42: {  	_ =	shalt  }
0x43: {  	_ =	shalt  }
0x44: {  	_ =	shalt  }
0x45: {  	_ =	shalt  }
0x46: {  	_ =	shalt  }
0x47: {  	_ =	shalt  }
0x48: {  	_ =	shalt  }
0x49: {  	_ =	shalt  }
0x4a: {  	_ =	shalt  }
0x4b: {  	_ =	shalt  }
0x4c: {  	_ =	shalt  }
0x4d: {  	_ =	shalt  }
0x4e: {  	_ =	shalt  }
0x4f: {  	_ =	shalt  }
0x50: {  	_ =	shalt  }
0x51: {  	_ =	shalt  }
0x52: {  	_ =	shalt  }
0x53: {  	_ =	shalt  }
0x54: {  	_ =	shalt  }
0x55: {  	_ =	shalt  }
0x56: {  	_ =	shalt  }
0x57: {  	_ =	shalt  }
0x58: {  	_ =	shalt  }
0x59: {  	_ =	shalt  }
0x5a: {  	_ =	shalt  }
0x5b: {  	_ =	shalt  }
0x5c: {  	_ =	shalt  }
0x5d: {  	_ =	shalt  }
0x5e: {  	_ =	shalt  }
0x5f: {  	_ =	shalt  }
0x60: {  	_ =	shalt  }
0x61: {  	_ =	shalt  }
0x62: {  	_ =	shalt  }
0x63: {  	_ =	shalt  }
0x64: {  	_ =	shalt  }
0x65: {  	_ =	shalt  }
0x66: {  	_ =	shalt  }
0x67: {  	_ =	shalt  }
0x68: {  	_ =	shalt  }
0x69: {  	_ =	shalt  }
0x6a: {  	_ =	shalt  }
0x6b: {  	_ =	shalt  }
0x6c: {  	_ =	shalt  }
0x6d: {  	_ =	shalt  }
0x6e: {  	_ =	shalt  }
0x6f: {  	_ =	shalt  }
0x70: {  	_ =	shalt  }
0x71: {  	_ =	shalt  }
0x72: {  	_ =	shalt  }
0x73: {  	_ =	shalt  }
0x74: {  	_ =	shalt  }
0x75: {  	_ =	shalt  }
0x76: {  	_ =	shalt  }
0x77: {  	_ =	shalt  }
0x78: {  	_ =	shalt  }
0x79: {  	_ =	shalt  }
0x7a: {  	_ =	shalt  }
0x7b: {  	_ =	shalt  }
0x7c: {  	_ =	shalt  }
0x7d: {  	_ =	shalt  }
0x7e: {  	_ =	shalt  }
0x7f: {  	_ =	shalt  }
0x80: {  	_ =	shalt  }
0x81: {  	_ =	shalt  }
0x82: {  	_ =	shalt  }
0x83: {  	_ =	shalt  }
0x84: {  	_ =	shalt  }
0x85: {  	_ =	shalt  }
0x86: {  	_ =	shalt  }
0x87: {  	_ =	shalt  }
.Lfunc_end0:
.L_simem_size_0:
called_computation.1_lowered:
.L_overlay_start_0:
0x88: {  	s2 =	sld [smem:$0x3FD9]  }
0x89: {  	s3 =	sld [smem:$0x3FFE];
	_ =	sdelay $0x1  }
0x8a: {  	s1 =	srdreg.scid  }
0x8b: {  	s0 =	sand.u32 $0x1, s1  }
0x8c: {  	s17 =	sshll.u32 s0, $0xA;
	s2 =	sadd.s32 s3, s2  }
0x8d: {  	s2 =	sadd.s32 s2, s17  }
0x8e: {  	[smem:$0x3FC0] =	sst s2  }
0x8f: {  	_ = 	snop  }
0x90: {  	s2 =	sld [smem:$0x3FD0];
	(tm) =	ssettm $0x1  }
0x91: {  	s18 =	sld [smem:$0x3FFB];
	_ =	sdelay $0x3  }
0x92: {  	_ =	strace s18  }
0x93: {  	s3 =	sld [smem:$0x3FFC];
	_ =	sdelay $0x3  }
0x94: {  	_ =	strace s3  }
0x95: {  	s3 =	sld [smem:$0x3FFD];
	_ =	sdelay $0x3  }
0x96: {  	_ =	strace s3  }
0x97: {  	_ =	strace $0x8FFFFFFF  }
0x98: {  	s19 =	sld [smem:$0x3FDB];
	_ =	sdelay $0x1  }
0x99: {  	s4 =	simm.s32 $_scs_section_size  }
0x9a: {  	s5 =	simm.s32 $_size__tile_overlayer_lowered;
	s6 =	simm.s32 $_tile_overlayer_lowered  }
0x9b: {  	s22 =	simm.s32 $0x1BFF;
	s21 =	sshll.u32 s6, $0x1;
	s3 =	sadd.s32 s4, s19  }
0x9c: {  	s7 =	simm.s32 $0x0;
	s20 =	sshll.u32 s5, $0x1;
	s5 =	sadd.s32 s21, s3  }
0x9d: {  	[timem:s7], [sflag:s22] =	dma.local [hbm:s5], s20  }
0x9e: {  	_ =	swait.ge [sflag:s22], s20  }
0x9f: {  	s4 =	ssub.s32 $0x0, s20;
	[sflag:s22] =	ssyncset.done $0x0  }
0xa0: {  	[sflag:s22] =	ssyncadd.s32 s4;
	_ =	sdelay $0x1  }
0xa1: {  	s23 =	simm.s32 $0x1B8B  }
0xa2: {  	_ =	swait.ge [sflag:s23], $0x1  }
0xa3: {  	[sflag:s23] =	ssyncset.done $0x0  }
0xa4: {  	s25 =	simm.s32 $0x1B8E;
	s24 =	sld [smem:$0x3FFE];
	[sflag:s23] =	ssyncadd.s32 $0xFFFFFFFF  }
0xa5: {  	s26 =	simm.s32 $execute0_lowered;
	[smem:$0x3FD2] =	sst s25  }
0xa6: {  	s5 =	sshll.u32 s26, $0x1;
	_ =	strace $0x80000049;
	[dreg:$0x1] =	wrdreg $0xFFFFFFFF  }
0xa7: {  	s28 =	simm.s32 $_size_execute0_lowered;
	s3 =	sadd.s32 s3, s5;
	[dreg:$0x0] =	wrdreg $0x0  }
0xa8: {  	s5 =	sshll.u32 s28, $0x1;
	[dreg:$0x2] =	wrdreg s3  }
0xa9: {  	[dreg:$0x3] =	wrdreg s5  }
0xaa: {  	[dreg:$0x4] =	wrdreg $0xC0  }
0xab: {  	_ =	task [dreg:s7], $0x5FFFF  }
0xac: {  	[dreg:$0x1] =	wrdreg $0xFFFFFFFF  }
0xad: {  	[dreg:$0x0] =	wrdreg $0x60  }
0xae: {  	[dreg:$0x2] =	wrdreg s2  }
0xaf: {  	[dreg:$0x3] =	wrdreg s24  }
0xb0: {  	[dreg:$0x4] =	wrdreg $0x90000  }
0xb1: {  	[dreg:$0x5] =	wrdreg $0x9  }
0xb2: {  	_ =	task.clear_ibuf [dreg:s7], $0x6FFFF;
	_ =	strace $0x90000049  }
0xb3: {  	s29 =	simm.s32 $0x9;
	_ =	strace $0x8000004E  }
0xb4: {  	_ =	swait.ge [sflag:s29], $0x1  }
0xb5: {  	[sflag:s29] =	ssyncadd.s32 $0xFFFFFFFF  }
0xb6: {  	_ =	strace $0x9000004E  }
0xb7: {  	_ =	sfence  }
0xb8: {  	s30 =	sld [smem:$0x0];
	_ =	sdelay $0x2  }
0xb9: {  	s31 =	sshll.u32 s1, $0xD;
	s1 =	sshrl.u32 s1, $0x2  }
0xba: {  	s3 =	sand.u32 $0x4000, s31;
	s1 =	sadd.s32 s1, s30  }
0xbb: {  	s0 =	sor.u32 s3, s0;
	s1 =	sshll.u32 s1, $0x11  }
0xbc: {  	s0 =	sor.u32 s1, s0  }
0xbd: {  	s0 =	sadd.s32 $0x8F2B, s0  }
0xbe: {  	[sflag:s0] =	ssyncadd.remote.s32 $0x1  }
0xbf: {  	_ =	sfence.sel $0xFFFF  }
0xc0: {  	[dreg:$0x0] =	wrdreg $0xFFFFFFFF;
	(pc) =	sbr.abs _section_cstart, $3  }
0xc1: {  	[dreg:$0x1] =	wrdreg $0xFFFFFFFF  }
0xc2: {  	_ =	task.clear_ibuf [dreg:s7], $0x2FFFF;
	_ =	strace $0x9FFFFFFF  }
0xc3: {  	(tm) =	ssettm $0x7FFFFFFF  }
tec
execute0_lowered:
.L_overlay_start_1:
0x0: {  	(tag) =	ssettag $0x1  }
0x1: {  	s0 =	rddreg [dreg:$0x0]  }
0x2: {  	s1 =	rddreg [dreg:$0x1];
	s11 =	stileid.u32  }
0x3: {  	s3 =	srdreg.scid;
	s2 =	rddreg [dreg:$0x2]  }
0x4: {  	s12 =	simm.s32 $0x880;
	s14 =	simm.s32 $0x180;
	s16 =	simm.s32 $0x900  }
0x5: {  	s17 =	simm.s32 $0x200;
	s18 =	simm.s32 $0x980;
	s19 =	simm.s32 $0x280  }
0x6: {  	s20 =	simm.s32 $0xA00;
	s21 =	simm.s32 $0x300;
	s22 =	simm.s32 $0xA80  }
0x7: {  	s28 =	simm.s32 $0x680;
	s6 =	sand.u32 $0x1, s3;
	s3 =	simm.s32 $0x0  }
0x8: {  	s29 =	simm.s32 $0xE00;
	s30 =	simm.s32 $0x700;
	[smem:$0x7FF] =	sst s3  }
0x9: {  	s31 =	simm.s32 $0xE80;
	_ =	strace $0x8000004A;
	[dreg:$0x7] =	wrdreg s12  }
0xa: {  	s5 =	smul.u32 $0x2800, s11;
	s7 =	sshll.u32 s11, $0x1;
	[dreg:$0x8] =	wrdreg s14  }
0xb: {  	s10 =	smul.u32 $0x50000, s11;
	s15 =	sshll.u32 s11, $0x6;
	[dreg:$0x9] =	wrdreg s16  }
0xc: {  	s11 =	simm.s32 $0x800;
	p0 =	seq.s32 s6, $0x0;
	[dreg:$0xa] =	wrdreg s17  }
0xd: {  	s23 =	sor.u32 s6, s7;
	s6 =	ssub.s32 $0x2, s6;
	[dreg:$0xb] =	wrdreg s18  }
0xe: {  	s4 =	sadd.s32 $0x28000, s5;
	s9 =	smul.u32 $0x2800, s23;
	[dreg:$0xc] =	wrdreg s19  }
0xf: {  	s25 =	sshrl.u32 s6, $0x1;
	s26 =	sshrl.u32 s10, $0x2;
	[dreg:$0xd] =	wrdreg s20  }
0x10: {  	s10 =	simm.s32 $0x100;
	s12 =	simm.s32 $0x80;
	[dreg:$0xe] =	wrdreg s21  }
0x11: {  	s14 =	simm.s32 $0x5000;
	[dreg:$0xf] =	wrdreg s22;
	s23 =	simm.s32 $0x380  }
0x12: {  	s16 =	simm.s32 $0x3;
	s17 =	simm.s32 $0x2;
	s18 =	simm.s32 $0x4  }
0x13: {  	s19 =	simm.s32 $0x480;
	s20 =	simm.s32 $0xC00;
	s21 =	simm.s32 $0x500  }
0x14: {  	s22 =	simm.s32 $0xC80;
	s4 =	smov.u32 @p0 s5;
	s5 =	sadd.s32 s5, s1  }
0x15: {  	s6 =	ssub.s32 s6, s25;
	[dreg:$0x6] =	wrdreg s10;
	s10 =	simm.s32 $0x5  }
0x16: {  	[dreg:$0x10] =	wrdreg s23;
	s25 =	simm.s32 $0x400;
	s23 =	simm.s32 $0x580  }
0x17: {  	s8 =	sshrl.u32 s4, $0x3;
	s4 =	sadd.s32 $0x34C00, s1;
	s5 =	sadd.s32 $0xCC00, s5  }
0x18: {  	s13 =	smax.u32 s6, $0x1;
	[dreg:$0x12] =	wrdreg s25;
	s25 =	simm.s32 $0x600  }
0x19: {  	s24 =	sadd.s32 s8, s1;
	s1 =	sadd.s32 s9, s1;
	[dreg:$0x14] =	wrdreg s5  }
0x1a: {  	s9 =	sadd.s32 s26, s2;
	s0 =	sadd.s32 s8, s0;
	[dreg:$0x16] =	wrdreg s13  }
0x1b: {  	s13 =	simm.s32 $0x1000;
	s26 =	simm.s32 $0xB80;
	[dreg:$0x5] =	wrdreg s0  }
0x1c: {  	s5 =	simm.s32 $0xF80;
	s7 =	sadd.s32 $0x2400, s24;
	[dreg:$0x13] =	wrdreg s26  }
0x1d: {  	s1 =	sadd.s32 $0x5CC00, s1;
	s8 =	sshrl.u32 s9, $0x3;
	[dreg:$0x4] =	wrdreg s7  }
0x1e: {  	s24 =	simm.s32 $0xB00;
	s26 =	simm.s32 $0xD80;
	[dreg:$0x15] =	wrdreg s1  }
0x1f: {  	s0 =	simm.s32 $0xF00;
	s9 =	simm.s32 $0x0;
	[dreg:$0x11] =	wrdreg s24  }
0x20: {  	s7 =	sor.u32 $0x1C05, s15;
	s15 =	simm.s32 $0x1;
	[dreg:$0x18] =	wrdreg s8  }
0x21: {  	s24 =	simm.s32 $0xD00;
	s1 =	simm.s32 $0x780;
	[dreg:$0x17] =	wrdreg s7  }
.LBB2_1:
0x22: {  	[dreg:$0x19] =	wrdreg s9  }
0x23: {  	_ =	strace $0x8000004B  }
0x24: {  	s6 =	rddreg [dreg:$0x14]  }
0x25: {  	[spmem:s8], [sflag:s7] =	dma.local [hbm:s6], $0x2800  }
0x26: {  	_ =	swait.ge [sflag:s10], $0x2800  }
0x27: {  	[sflag:s10] =	ssyncset.done $0x0  }
0x28: {  	[sflag:s10] =	ssyncadd.s32 $0xFFFFD800  }
0x29: {  	[bflag:$0x0] =	sbarrier.arrive $0xFFFF  }
0x2a: {  	_ =	strace $0x9000004B  }
0x2b: {  	_ =	strace $0x8000004C  }
0x2c: {  	s9 =	rddreg [dreg:$0x5]  }
0x2d: {  	s7 =	sadd.s32 $0x0, s9  }
0x2e: {  	[tilespmem:s3], [sflag:$0x5] =	stream.linear.gather [hbm4b:s7+s3], $0x800, $0x200038;
	[tilespmem:$0x1D000] =	vst v63  }
0x2f: {  	_ =	swait.ge [sflag:s10], $0x800  }
0x30: {  	s6 =	rddreg [dreg:$0x4];
	[sflag:s10] =	ssyncset.done $0x0  }
0x31: {  	[sflag:s10] =	ssyncadd.s32 $0xFFFFF800;
	s7 =	sadd.s32 $0x0, s6  }
0x32: {  	[tilespmem:s11], [sflag:$0x5] =	stream.linear.gather [hbm4b:s7+s3], $0x800, $0x200038;
	[tilespmem:$0x1D000] =	vst v63  }
0x33: {  	_ =	swait.ge [sflag:s10], $0x800  }
0x34: {  	[sflag:s10] =	ssyncset.done $0x0  }
0x35: {  	[sflag:s10] =	ssyncadd.s32 $0xFFFFF800  }
0x36: {  	[tilespmem:s13], [sflag:$0x1] =	stream.indirect.gather [hbm4b:s4+s12], $0x80, s3, s12, $0x2000b8;
	[tilespmem:$0x1D000] =	vst v63  }
0x37: {  	_ = 	snop  }
0x38: {  	[tilespmem:s14], [sflag:$0x2] =	stream.indirect.gather [hbm4b:s4+s12], $0x80, s12, s12, $0x2000b8;
	[tilespmem:$0x1D000] =	vst v63  }
0x39: {  	_ =	swait.ge [sflag:s15], $0x4000  }
0x3a: {  	[sflag:s15] =	ssyncset.done $0x0  }
0x3b: {  	[sflag:s15] =	ssyncadd.s32 $0xFFFFC000  }
0x3c: {  	[spmem:s2] =	stream.indirect.scatter.add.f32 [tilespmem:s13], [sflag:$0x3], $0x80, s11, s12, $0x2000b8;
	[tilespmem:$0x1D000] =	vst v63  }
0x3d: {  	_ =	swait.ge [sflag:s16], $0x4000  }
0x3e: {  	[sflag:s16] =	ssyncset.done $0x0  }
0x3f: {  	s8 =	rddreg [dreg:$0x6];
	[sflag:s16] =	ssyncadd.s32 $0xFFFFC000  }
0x40: {  	[tilespmem:s13], [sflag:$0x1] =	stream.indirect.gather [hbm4b:s4+s12], $0x80, s8, s12, $0x2000b8;
	[tilespmem:$0x1D000] =	vst v63  }
0x41: {  	_ =	swait.ge [sflag:s17], $0x4000  }
0x42: {  	[sflag:s17] =	ssyncset.done $0x0  }
0x43: {  	s9 =	rddreg [dreg:$0x7];
	[sflag:s17] =	ssyncadd.s32 $0xFFFFC000  }
0x44: {  	[spmem:s2] =	stream.indirect.scatter.add.f32 [tilespmem:s14], [sflag:$0x4], $0x80, s9, s12, $0x2000b8;
	[tilespmem:$0x1D000] =	vst v63  }
0x45: {  	_ =	swait.ge [sflag:s18], $0x4000  }
0x46: {  	[sflag:s18] =	ssyncset.done $0x0  }
0x47: {  	s6 =	rddreg [dreg:$0x8];
	[sflag:s18] =	ssyncadd.s32 $0xFFFFC000  }
0x48: {  	[tilespmem:s14], [sflag:$0x2] =	stream.indirect.gather [hbm4b:s4+s12], $0x80, s6, s12, $0x2000b8;
	[tilespmem:$0x1D000] =	vst v63  }
0x49: {  	_ =	swait.ge [sflag:s15], $0x4000  }
0x4a: {  	[sflag:s15] =	ssyncset.done $0x0  }
0x4b: {  	s8 =	rddreg [dreg:$0x9];
	[sflag:s15] =	ssyncadd.s32 $0xFFFFC000  }
0x4c: {  	[spmem:s2] =	stream.indirect.scatter.add.f32 [tilespmem:s13], [sflag:$0x3], $0x80, s8, s12, $0x2000b8;
	[tilespmem:$0x1D000] =	vst v63  }
0x4d: {  	_ =	swait.ge [sflag:s16], $0x4000  }
0x4e: {  	[sflag:s16] =	ssyncset.done $0x0  }
0x4f: {  	s9 =	rddreg [dreg:$0xa];
	[sflag:s16] =	ssyncadd.s32 $0xFFFFC000  }
0x50: {  	[tilespmem:s13], [sflag:$0x1] =	stream.indirect.gather [hbm4b:s4+s12], $0x80, s9, s12, $0x2000b8;
	[tilespmem:$0x1D000] =	vst v63  }
0x51: {  	_ =	swait.ge [sflag:s17], $0x4000  }
0x52: {  	[sflag:s17] =	ssyncset.done $0x0  }
0x53: {  	s6 =	rddreg [dreg:$0xb];
	[sflag:s17] =	ssyncadd.s32 $0xFFFFC000  }
0x54: {  	[spmem:s2] =	stream.indirect.scatter.add.f32 [tilespmem:s14], [sflag:$0x4], $0x80, s6, s12, $0x2000b8;
	[tilespmem:$0x1D000] =	vst v63  }
0x55: {  	_ =	swait.ge [sflag:s18], $0x4000  }
0x56: {  	[sflag:s18] =	ssyncset.done $0x0  }
0x57: {  	s8 =	rddreg [dreg:$0xc];
	[sflag:s18] =	ssyncadd.s32 $0xFFFFC000  }
0x58: {  	[tilespmem:s14], [sflag:$0x2] =	stream.indirect.gather [hbm4b:s4+s12], $0x80, s8, s12, $0x2000b8;
	[tilespmem:$0x1D000] =	vst v63  }
0x59: {  	_ =	swait.ge [sflag:s15], $0x4000  }
0x5a: {  	[sflag:s15] =	ssyncset.done $0x0  }
0x5b: {  	s9 =	rddreg [dreg:$0xd];
	[sflag:s15] =	ssyncadd.s32 $0xFFFFC000  }
0x5c: {  	[spmem:s2] =	stream.indirect.scatter.add.f32 [tilespmem:s13], [sflag:$0x3], $0x80, s9, s12, $0x2000b8;
	[tilespmem:$0x1D000] =	vst v63  }
0x5d: {  	_ =	swait.ge [sflag:s16], $0x4000  }
0x5e: {  	[sflag:s16] =	ssyncset.done $0x0  }
0x5f: {  	s6 =	rddreg [dreg:$0xe];
	[sflag:s16] =	ssyncadd.s32 $0xFFFFC000  }
0x60: {  	[tilespmem:s13], [sflag:$0x1] =	stream.indirect.gather [hbm4b:s4+s12], $0x80, s6, s12, $0x2000b8;
	[tilespmem:$0x1D000] =	vst v63  }
0x61: {  	_ =	swait.ge [sflag:s17], $0x4000  }
0x62: {  	[sflag:s17] =	ssyncset.done $0x0  }
0x63: {  	s8 =	rddreg [dreg:$0xf];
	[sflag:s17] =	ssyncadd.s32 $0xFFFFC000  }
0x64: {  	[spmem:s2] =	stream.indirect.scatter.add.f32 [tilespmem:s14], [sflag:$0x4], $0x80, s8, s12, $0x2000b8;
	[tilespmem:$0x1D000] =	vst v63  }
0x65: {  	_ =	swait.ge [sflag:s18], $0x4000  }
0x66: {  	[sflag:s18] =	ssyncset.done $0x0  }
0x67: {  	s9 =	rddreg [dreg:$0x10];
	[sflag:s18] =	ssyncadd.s32 $0xFFFFC000  }
0x68: {  	[tilespmem:s14], [sflag:$0x2] =	stream.indirect.gather [hbm4b:s4+s12], $0x80, s9, s12, $0x2000b8;
	[tilespmem:$0x1D000] =	vst v63  }
0x69: {  	_ =	swait.ge [sflag:s15], $0x4000  }
0x6a: {  	[sflag:s15] =	ssyncset.done $0x0  }
0x6b: {  	s6 =	rddreg [dreg:$0x11];
	[sflag:s15] =	ssyncadd.s32 $0xFFFFC000  }
0x6c: {  	[spmem:s2] =	stream.indirect.scatter.add.f32 [tilespmem:s13], [sflag:$0x3], $0x80, s6, s12, $0x2000b8;
	[tilespmem:$0x1D000] =	vst v63  }
0x6d: {  	_ =	swait.ge [sflag:s16], $0x4000  }
0x6e: {  	[sflag:s16] =	ssyncset.done $0x0  }
0x6f: {  	s8 =	rddreg [dreg:$0x12];
	[sflag:s16] =	ssyncadd.s32 $0xFFFFC000  }
0x70: {  	[tilespmem:s13], [sflag:$0x1] =	stream.indirect.gather [hbm4b:s4+s12], $0x80, s8, s12, $0x2000b8;
	[tilespmem:$0x1D000] =	vst v63  }
0x71: {  	_ =	swait.ge [sflag:s17], $0x4000  }
0x72: {  	[sflag:s17] =	ssyncset.done $0x0  }
0x73: {  	s9 =	rddreg [dreg:$0x13];
	[sflag:s17] =	ssyncadd.s32 $0xFFFFC000  }
0x74: {  	[spmem:s2] =	stream.indirect.scatter.add.f32 [tilespmem:s14], [sflag:$0x4], $0x80, s9, s12, $0x2000b8;
	[tilespmem:$0x1D000] =	vst v63  }
0x75: {  	_ =	swait.ge [sflag:s18], $0x4000  }
0x76: {  	[sflag:s18] =	ssyncset.done $0x0  }
0x77: {  	[sflag:s18] =	ssyncadd.s32 $0xFFFFC000  }
0x78: {  	[tilespmem:s14], [sflag:$0x2] =	stream.indirect.gather [hbm4b:s4+s12], $0x80, s19, s12, $0x2000b8;
	[tilespmem:$0x1D000] =	vst v63  }
0x79: {  	_ =	swait.ge [sflag:s15], $0x4000  }
0x7a: {  	[sflag:s15] =	ssyncset.done $0x0  }
0x7b: {  	[sflag:s15] =	ssyncadd.s32 $0xFFFFC000  }
0x7c: {  	[spmem:s2] =	stream.indirect.scatter.add.f32 [tilespmem:s13], [sflag:$0x3], $0x80, s20, s12, $0x2000b8;
	[tilespmem:$0x1D000] =	vst v63  }
0x7d: {  	_ =	swait.ge [sflag:s16], $0x4000  }
0x7e: {  	[sflag:s16] =	ssyncset.done $0x0  }
0x7f: {  	[sflag:s16] =	ssyncadd.s32 $0xFFFFC000  }
0x80: {  	[tilespmem:s13], [sflag:$0x1] =	stream.indirect.gather [hbm4b:s4+s12], $0x80, s21, s12, $0x2000b8;
	[tilespmem:$0x1D000] =	vst v63  }
0x81: {  	_ =	swait.ge [sflag:s17], $0x4000  }
0x82: {  	[sflag:s17] =	ssyncset.done $0x0  }
0x83: {  	[sflag:s17] =	ssyncadd.s32 $0xFFFFC000  }
0x84: {  	[spmem:s2] =	stream.indirect.scatter.add.f32 [tilespmem:s14], [sflag:$0x4], $0x80, s22, s12, $0x2000b8;
	[tilespmem:$0x1D000] =	vst v63  }
0x85: {  	_ =	swait.ge [sflag:s18], $0x4000  }
0x86: {  	[sflag:s18] =	ssyncset.done $0x0  }
0x87: {  	[sflag:s18] =	ssyncadd.s32 $0xFFFFC000  }
0x88: {  	[tilespmem:s14], [sflag:$0x2] =	stream.indirect.gather [hbm4b:s4+s12], $0x80, s23, s12, $0x2000b8;
	[tilespmem:$0x1D000] =	vst v63  }
0x89: {  	_ =	swait.ge [sflag:s15], $0x4000  }
0x8a: {  	[sflag:s15] =	ssyncset.done $0x0  }
0x8b: {  	[sflag:s15] =	ssyncadd.s32 $0xFFFFC000  }
0x8c: {  	[spmem:s2] =	stream.indirect.scatter.add.f32 [tilespmem:s13], [sflag:$0x3], $0x80, s24, s12, $0x2000b8;
	[tilespmem:$0x1D000] =	vst v63  }
0x8d: {  	_ =	swait.ge [sflag:s16], $0x4000  }
0x8e: {  	[sflag:s16] =	ssyncset.done $0x0  }
0x8f: {  	[sflag:s16] =	ssyncadd.s32 $0xFFFFC000  }
0x90: {  	[tilespmem:s13], [sflag:$0x1] =	stream.indirect.gather [hbm4b:s4+s12], $0x80, s25, s12, $0x2000b8;
	[tilespmem:$0x1D000] =	vst v63  }
0x91: {  	_ =	swait.ge [sflag:s17], $0x4000  }
0x92: {  	[sflag:s17] =	ssyncset.done $0x0  }
0x93: {  	[sflag:s17] =	ssyncadd.s32 $0xFFFFC000  }
0x94: {  	[spmem:s2] =	stream.indirect.scatter.add.f32 [tilespmem:s14], [sflag:$0x4], $0x80, s26, s12, $0x2000b8;
	[tilespmem:$0x1D000] =	vst v63  }
0x95: {  	_ =	swait.ge [sflag:s18], $0x4000  }
0x96: {  	[sflag:s18] =	ssyncset.done $0x0  }
0x97: {  	[sflag:s18] =	ssyncadd.s32 $0xFFFFC000  }
0x98: {  	[tilespmem:s14], [sflag:$0x2] =	stream.indirect.gather [hbm4b:s4+s12], $0x80, s28, s12, $0x2000b8;
	[tilespmem:$0x1D000] =	vst v63  }
0x99: {  	_ =	swait.ge [sflag:s15], $0x4000  }
0x9a: {  	[sflag:s15] =	ssyncset.done $0x0  }
0x9b: {  	[sflag:s15] =	ssyncadd.s32 $0xFFFFC000  }
0x9c: {  	[spmem:s2] =	stream.indirect.scatter.add.f32 [tilespmem:s13], [sflag:$0x3], $0x80, s29, s12, $0x2000b8;
	[tilespmem:$0x1D000] =	vst v63  }
0x9d: {  	_ =	swait.ge [sflag:s16], $0x4000  }
0x9e: {  	[sflag:s16] =	ssyncset.done $0x0  }
0x9f: {  	[sflag:s16] =	ssyncadd.s32 $0xFFFFC000  }
0xa0: {  	[tilespmem:s13], [sflag:$0x1] =	stream.indirect.gather [hbm4b:s4+s12], $0x80, s30, s12, $0x2000b8;
	[tilespmem:$0x1D000] =	vst v63  }
0xa1: {  	_ =	swait.ge [sflag:s17], $0x4000  }
0xa2: {  	[sflag:s17] =	ssyncset.done $0x0  }
0xa3: {  	[sflag:s17] =	ssyncadd.s32 $0xFFFFC000  }
0xa4: {  	[spmem:s2] =	stream.indirect.scatter.add.f32 [tilespmem:s14], [sflag:$0x4], $0x80, s31, s12, $0x2000b8;
	[tilespmem:$0x1D000] =	vst v63  }
0xa5: {  	_ =	swait.ge [sflag:s18], $0x4000  }
0xa6: {  	[sflag:s18] =	ssyncset.done $0x0  }
0xa7: {  	[sflag:s18] =	ssyncadd.s32 $0xFFFFC000  }
0xa8: {  	[tilespmem:s14], [sflag:$0x2] =	stream.indirect.gather [hbm4b:s4+s12], $0x80, s1, s12, $0x2000b8;
	[tilespmem:$0x1D000] =	vst v63  }
0xa9: {  	_ =	swait.ge [sflag:s15], $0x4000  }
0xaa: {  	[sflag:s15] =	ssyncset.done $0x0  }
0xab: {  	[sflag:s15] =	ssyncadd.s32 $0xFFFFC000  }
0xac: {  	[spmem:s2] =	stream.indirect.scatter.add.f32 [tilespmem:s13], [sflag:$0x3], $0x80, s0, s12, $0x2000b8;
	[tilespmem:$0x1D000] =	vst v63  }
0xad: {  	_ =	swait.ge [sflag:s17], $0x4000  }
0xae: {  	[sflag:s17] =	ssyncset.done $0x0  }
0xaf: {  	[sflag:s17] =	ssyncadd.s32 $0xFFFFC000  }
0xb0: {  	[spmem:s2] =	stream.indirect.scatter.add.f32 [tilespmem:s14], [sflag:$0x4], $0x80, s5, s12, $0x2000b8;
	[tilespmem:$0x1D000] =	vst v63  }
0xb1: {  	_ =	swait.ge [sflag:s16], $0x4000  }
0xb2: {  	[sflag:s16] =	ssyncset.done $0x0  }
0xb3: {  	[sflag:s16] =	ssyncadd.s32 $0xFFFFC000  }
0xb4: {  	s7 =	simm.s32 $0x100;
	_ =	swait.ge [sflag:s18], $0x4000  }
0xb5: {  	s8 =	simm.s32 $0x200;
	s9 =	rddreg [dreg:$0x5];
	[sflag:s18] =	ssyncset.done $0x0  }
.LBB2_2:
0xb6: {  	[sflag:s18] =	ssyncadd.s32 $0xFFFFC000;
	s9 =	sadd.s32 s7, s9  }
0xb7: {  	[tilespmem:s3], [sflag:$0x5] =	stream.linear.gather [hbm4b:s9+s3], $0x800, $0x200038;
	[tilespmem:$0x1D000] =	vst v63  }
0xb8: {  	_ =	swait.ge [sflag:s10], $0x800  }
0xb9: {  	s9 =	rddreg [dreg:$0x4];
	[sflag:s10] =	ssyncset.done $0x0  }
0xba: {  	[sflag:s10] =	ssyncadd.s32 $0xFFFFF800;
	s9 =	sadd.s32 s7, s9  }
0xbb: {  	[tilespmem:s11], [sflag:$0x5] =	stream.linear.gather [hbm4b:s9+s3], $0x800, $0x200038;
	[tilespmem:$0x1D000] =	vst v63  }
0xbc: {  	_ =	swait.ge [sflag:s10], $0x800  }
0xbd: {  	[sflag:s10] =	ssyncset.done $0x0  }
0xbe: {  	[sflag:s10] =	ssyncadd.s32 $0xFFFFF800  }
0xbf: {  	[tilespmem:s13], [sflag:$0x1] =	stream.indirect.gather [hbm4b:s4+s12], $0x80, s3, s12, $0x2000b8;
	[tilespmem:$0x1D000] =	vst v63  }
0xc0: {  	_ = 	snop  }
0xc1: {  	[tilespmem:s14], [sflag:$0x2] =	stream.indirect.gather [hbm4b:s4+s12], $0x80, s12, s12, $0x2000b8;
	[tilespmem:$0x1D000] =	vst v63  }
0xc2: {  	_ =	swait.ge [sflag:s15], $0x4000  }
0xc3: {  	[sflag:s15] =	ssyncset.done $0x0  }
0xc4: {  	[sflag:s15] =	ssyncadd.s32 $0xFFFFC000  }
0xc5: {  	[spmem:s2] =	stream.indirect.scatter.add.f32 [tilespmem:s13], [sflag:$0x3], $0x80, s11, s12, $0x2000b8;
	[tilespmem:$0x1D000] =	vst v63  }
0xc6: {  	_ =	swait.ge [sflag:s16], $0x4000  }
0xc7: {  	[sflag:s16] =	ssyncset.done $0x0  }
0xc8: {  	s9 =	rddreg [dreg:$0x6];
	[sflag:s16] =	ssyncadd.s32 $0xFFFFC000  }
0xc9: {  	[tilespmem:s13], [sflag:$0x1] =	stream.indirect.gather [hbm4b:s4+s12], $0x80, s9, s12, $0x2000b8;
	[tilespmem:$0x1D000] =	vst v63  }
0xca: {  	_ =	swait.ge [sflag:s17], $0x4000  }
0xcb: {  	[sflag:s17] =	ssyncset.done $0x0  }
0xcc: {  	s9 =	rddreg [dreg:$0x7];
	[sflag:s17] =	ssyncadd.s32 $0xFFFFC000  }
0xcd: {  	[spmem:s2] =	stream.indirect.scatter.add.f32 [tilespmem:s14], [sflag:$0x4], $0x80, s9, s12, $0x2000b8;
	[tilespmem:$0x1D000] =	vst v63  }
0xce: {  	_ =	swait.ge [sflag:s18], $0x4000  }
0xcf: {  	[sflag:s18] =	ssyncset.done $0x0  }
0xd0: {  	s9 =	rddreg [dreg:$0x8];
	[sflag:s18] =	ssyncadd.s32 $0xFFFFC000  }
0xd1: {  	[tilespmem:s14], [sflag:$0x2] =	stream.indirect.gather [hbm4b:s4+s12], $0x80, s9, s12, $0x2000b8;
	[tilespmem:$0x1D000] =	vst v63  }
0xd2: {  	_ =	swait.ge [sflag:s15], $0x4000  }
0xd3: {  	[sflag:s15] =	ssyncset.done $0x0  }
0xd4: {  	s9 =	rddreg [dreg:$0x9];
	[sflag:s15] =	ssyncadd.s32 $0xFFFFC000  }
0xd5: {  	[spmem:s2] =	stream.indirect.scatter.add.f32 [tilespmem:s13], [sflag:$0x3], $0x80, s9, s12, $0x2000b8;
	[tilespmem:$0x1D000] =	vst v63  }
0xd6: {  	_ =	swait.ge [sflag:s16], $0x4000  }
0xd7: {  	[sflag:s16] =	ssyncset.done $0x0  }
0xd8: {  	s9 =	rddreg [dreg:$0xa];
	[sflag:s16] =	ssyncadd.s32 $0xFFFFC000  }
0xd9: {  	[tilespmem:s13], [sflag:$0x1] =	stream.indirect.gather [hbm4b:s4+s12], $0x80, s9, s12, $0x2000b8;
	[tilespmem:$0x1D000] =	vst v63  }
0xda: {  	_ =	swait.ge [sflag:s17], $0x4000  }
0xdb: {  	[sflag:s17] =	ssyncset.done $0x0  }
0xdc: {  	s9 =	rddreg [dreg:$0xb];
	[sflag:s17] =	ssyncadd.s32 $0xFFFFC000  }
0xdd: {  	[spmem:s2] =	stream.indirect.scatter.add.f32 [tilespmem:s14], [sflag:$0x4], $0x80, s9, s12, $0x2000b8;
	[tilespmem:$0x1D000] =	vst v63  }
0xde: {  	_ =	swait.ge [sflag:s18], $0x4000  }
0xdf: {  	[sflag:s18] =	ssyncset.done $0x0  }
0xe0: {  	s9 =	rddreg [dreg:$0xc];
	[sflag:s18] =	ssyncadd.s32 $0xFFFFC000  }
0xe1: {  	[tilespmem:s14], [sflag:$0x2] =	stream.indirect.gather [hbm4b:s4+s12], $0x80, s9, s12, $0x2000b8;
	[tilespmem:$0x1D000] =	vst v63  }
0xe2: {  	_ =	swait.ge [sflag:s15], $0x4000  }
0xe3: {  	[sflag:s15] =	ssyncset.done $0x0  }
0xe4: {  	s9 =	rddreg [dreg:$0xd];
	[sflag:s15] =	ssyncadd.s32 $0xFFFFC000  }
0xe5: {  	[spmem:s2] =	stream.indirect.scatter.add.f32 [tilespmem:s13], [sflag:$0x3], $0x80, s9, s12, $0x2000b8;
	[tilespmem:$0x1D000] =	vst v63  }
0xe6: {  	_ =	swait.ge [sflag:s16], $0x4000  }
0xe7: {  	[sflag:s16] =	ssyncset.done $0x0  }
0xe8: {  	s9 =	rddreg [dreg:$0xe];
	[sflag:s16] =	ssyncadd.s32 $0xFFFFC000  }
0xe9: {  	[tilespmem:s13], [sflag:$0x1] =	stream.indirect.gather [hbm4b:s4+s12], $0x80, s9, s12, $0x2000b8;
	[tilespmem:$0x1D000] =	vst v63  }
0xea: {  	_ =	swait.ge [sflag:s17], $0x4000  }
0xeb: {  	[sflag:s17] =	ssyncset.done $0x0  }
0xec: {  	s9 =	rddreg [dreg:$0xf];
	[sflag:s17] =	ssyncadd.s32 $0xFFFFC000  }
0xed: {  	[spmem:s2] =	stream.indirect.scatter.add.f32 [tilespmem:s14], [sflag:$0x4], $0x80, s9, s12, $0x2000b8;
	[tilespmem:$0x1D000] =	vst v63  }
0xee: {  	_ =	swait.ge [sflag:s18], $0x4000  }
0xef: {  	[sflag:s18] =	ssyncset.done $0x0  }
0xf0: {  	s9 =	rddreg [dreg:$0x10];
	[sflag:s18] =	ssyncadd.s32 $0xFFFFC000  }
0xf1: {  	[tilespmem:s14], [sflag:$0x2] =	stream.indirect.gather [hbm4b:s4+s12], $0x80, s9, s12, $0x2000b8;
	[tilespmem:$0x1D000] =	vst v63  }
0xf2: {  	_ =	swait.ge [sflag:s15], $0x4000  }
0xf3: {  	[sflag:s15] =	ssyncset.done $0x0  }
0xf4: {  	s9 =	rddreg [dreg:$0x11];
	[sflag:s15] =	ssyncadd.s32 $0xFFFFC000  }
0xf5: {  	[spmem:s2] =	stream.indirect.scatter.add.f32 [tilespmem:s13], [sflag:$0x3], $0x80, s9, s12, $0x2000b8;
	[tilespmem:$0x1D000] =	vst v63  }
0xf6: {  	_ =	swait.ge [sflag:s16], $0x4000  }
0xf7: {  	[sflag:s16] =	ssyncset.done $0x0  }
0xf8: {  	s9 =	rddreg [dreg:$0x12];
	[sflag:s16] =	ssyncadd.s32 $0xFFFFC000  }
0xf9: {  	[tilespmem:s13], [sflag:$0x1] =	stream.indirect.gather [hbm4b:s4+s12], $0x80, s9, s12, $0x2000b8;
	[tilespmem:$0x1D000] =	vst v63  }
0xfa: {  	_ =	swait.ge [sflag:s17], $0x4000  }
0xfb: {  	[sflag:s17] =	ssyncset.done $0x0  }
0xfc: {  	s9 =	rddreg [dreg:$0x13];
	[sflag:s17] =	ssyncadd.s32 $0xFFFFC000  }
0xfd: {  	[spmem:s2] =	stream.indirect.scatter.add.f32 [tilespmem:s14], [sflag:$0x4], $0x80, s9, s12, $0x2000b8;
	[tilespmem:$0x1D000] =	vst v63  }
0xfe: {  	_ =	swait.ge [sflag:s18], $0x4000  }
0xff: {  	[sflag:s18] =	ssyncset.done $0x0  }
0x100: {  	[sflag:s18] =	ssyncadd.s32 $0xFFFFC000  }
0x101: {  	[tilespmem:s14], [sflag:$0x2] =	stream.indirect.gather [hbm4b:s4+s12], $0x80, s19, s12, $0x2000b8;
	[tilespmem:$0x1D000] =	vst v63  }
0x102: {  	_ =	swait.ge [sflag:s15], $0x4000  }
0x103: {  	[sflag:s15] =	ssyncset.done $0x0  }
0x104: {  	[sflag:s15] =	ssyncadd.s32 $0xFFFFC000  }
0x105: {  	[spmem:s2] =	stream.indirect.scatter.add.f32 [tilespmem:s13], [sflag:$0x3], $0x80, s20, s12, $0x2000b8;
	[tilespmem:$0x1D000] =	vst v63  }
0x106: {  	_ =	swait.ge [sflag:s16], $0x4000  }
0x107: {  	[sflag:s16] =	ssyncset.done $0x0  }
0x108: {  	[sflag:s16] =	ssyncadd.s32 $0xFFFFC000  }
0x109: {  	[tilespmem:s13], [sflag:$0x1] =	stream.indirect.gather [hbm4b:s4+s12], $0x80, s21, s12, $0x2000b8;
	[tilespmem:$0x1D000] =	vst v63  }
0x10a: {  	_ =	swait.ge [sflag:s17], $0x4000  }
0x10b: {  	[sflag:s17] =	ssyncset.done $0x0  }
0x10c: {  	[sflag:s17] =	ssyncadd.s32 $0xFFFFC000  }
0x10d: {  	[spmem:s2] =	stream.indirect.scatter.add.f32 [tilespmem:s14], [sflag:$0x4], $0x80, s22, s12, $0x2000b8;
	[tilespmem:$0x1D000] =	vst v63  }
0x10e: {  	_ =	swait.ge [sflag:s18], $0x4000  }
0x10f: {  	[sflag:s18] =	ssyncset.done $0x0  }
0x110: {  	[sflag:s18] =	ssyncadd.s32 $0xFFFFC000  }
0x111: {  	[tilespmem:s14], [sflag:$0x2] =	stream.indirect.gather [hbm4b:s4+s12], $0x80, s23, s12, $0x2000b8;
	[tilespmem:$0x1D000] =	vst v63  }
0x112: {  	_ =	swait.ge [sflag:s15], $0x4000  }
0x113: {  	[sflag:s15] =	ssyncset.done $0x0  }
0x114: {  	[sflag:s15] =	ssyncadd.s32 $0xFFFFC000  }
0x115: {  	[spmem:s2] =	stream.indirect.scatter.add.f32 [tilespmem:s13], [sflag:$0x3], $0x80, s24, s12, $0x2000b8;
	[tilespmem:$0x1D000] =	vst v63  }
0x116: {  	_ =	swait.ge [sflag:s16], $0x4000  }
0x117: {  	[sflag:s16] =	ssyncset.done $0x0  }
0x118: {  	[sflag:s16] =	ssyncadd.s32 $0xFFFFC000  }
0x119: {  	[tilespmem:s13], [sflag:$0x1] =	stream.indirect.gather [hbm4b:s4+s12], $0x80, s25, s12, $0x2000b8;
	[tilespmem:$0x1D000] =	vst v63  }
0x11a: {  	_ =	swait.ge [sflag:s17], $0x4000  }
0x11b: {  	[sflag:s17] =	ssyncset.done $0x0  }
0x11c: {  	[sflag:s17] =	ssyncadd.s32 $0xFFFFC000  }
0x11d: {  	[spmem:s2] =	stream.indirect.scatter.add.f32 [tilespmem:s14], [sflag:$0x4], $0x80, s26, s12, $0x2000b8;
	[tilespmem:$0x1D000] =	vst v63  }
0x11e: {  	_ =	swait.ge [sflag:s18], $0x4000  }
0x11f: {  	[sflag:s18] =	ssyncset.done $0x0  }
0x120: {  	[sflag:s18] =	ssyncadd.s32 $0xFFFFC000  }
0x121: {  	[tilespmem:s14], [sflag:$0x2] =	stream.indirect.gather [hbm4b:s4+s12], $0x80, s28, s12, $0x2000b8;
	[tilespmem:$0x1D000] =	vst v63  }
0x122: {  	_ =	swait.ge [sflag:s15], $0x4000  }
0x123: {  	[sflag:s15] =	ssyncset.done $0x0  }
0x124: {  	[sflag:s15] =	ssyncadd.s32 $0xFFFFC000  }
0x125: {  	[spmem:s2] =	stream.indirect.scatter.add.f32 [tilespmem:s13], [sflag:$0x3], $0x80, s29, s12, $0x2000b8;
	[tilespmem:$0x1D000] =	vst v63  }
0x126: {  	_ =	swait.ge [sflag:s16], $0x4000  }
0x127: {  	[sflag:s16] =	ssyncset.done $0x0  }
0x128: {  	[sflag:s16] =	ssyncadd.s32 $0xFFFFC000  }
0x129: {  	[tilespmem:s13], [sflag:$0x1] =	stream.indirect.gather [hbm4b:s4+s12], $0x80, s30, s12, $0x2000b8;
	[tilespmem:$0x1D000] =	vst v63  }
0x12a: {  	_ =	swait.ge [sflag:s17], $0x4000  }
0x12b: {  	[sflag:s17] =	ssyncset.done $0x0  }
0x12c: {  	[sflag:s17] =	ssyncadd.s32 $0xFFFFC000  }
0x12d: {  	[spmem:s2] =	stream.indirect.scatter.add.f32 [tilespmem:s14], [sflag:$0x4], $0x80, s31, s12, $0x2000b8;
	[tilespmem:$0x1D000] =	vst v63  }
0x12e: {  	_ =	swait.ge [sflag:s18], $0x4000  }
0x12f: {  	[sflag:s18] =	ssyncset.done $0x0  }
0x130: {  	[sflag:s18] =	ssyncadd.s32 $0xFFFFC000  }
0x131: {  	[tilespmem:s14], [sflag:$0x2] =	stream.indirect.gather [hbm4b:s4+s12], $0x80, s1, s12, $0x2000b8;
	[tilespmem:$0x1D000] =	vst v63  }
0x132: {  	_ =	swait.ge [sflag:s15], $0x4000  }
0x133: {  	[sflag:s15] =	ssyncset.done $0x0  }
0x134: {  	[sflag:s15] =	ssyncadd.s32 $0xFFFFC000  }
0x135: {  	[spmem:s2] =	stream.indirect.scatter.add.f32 [tilespmem:s13], [sflag:$0x3], $0x80, s0, s12, $0x2000b8;
	[tilespmem:$0x1D000] =	vst v63  }
0x136: {  	_ =	swait.ge [sflag:s17], $0x4000  }
0x137: {  	[sflag:s17] =	ssyncset.done $0x0  }
0x138: {  	p0 =	sne.s32 s8, $0x400;
	[sflag:s17] =	ssyncadd.s32 $0xFFFFC000  }
0x139: {  	[spmem:s2] =	stream.indirect.scatter.add.f32 [tilespmem:s14], [sflag:$0x4], $0x80, s5, s12, $0x2000b8;
	[tilespmem:$0x1D000] =	vst v63  }
.Ltmp0:
0x13a: {  	_ =	swait.ge [sflag:s16], $0x4000;
	(pc) =	sbr.rel @p0 .LBB2_2-.Ltmp0, $4  }
0x13b: {  	[sflag:s16] =	ssyncset.done $0x0  }
0x13c: {  	[sflag:s16] =	ssyncadd.s32 $0xFFFFC000  }
0x13d: {  	s6 =	smov.u32 s8;
	s8 =	sadd.s32 $0x100, s8;
	_ =	swait.ge [sflag:s18], $0x4000  }
0x13e: {  	s7 =	smov.u32 s6;
	s9 =	rddreg [dreg:$0x5];
	[sflag:s18] =	ssyncset.done $0x0  }
0x13f: {  	[sflag:s18] =	ssyncadd.s32 $0xFFFFC000;
	s6 =	sadd.s32 s7, s9  }
0x140: {  	[tilespmem:s3], [sflag:$0x5] =	stream.linear.gather [hbm4b:s6+s3], $0x800, $0x200038;
	[tilespmem:$0x1D000] =	vst v63  }
0x141: {  	_ =	swait.ge [sflag:s10], $0x800  }
0x142: {  	s9 =	rddreg [dreg:$0x4];
	[sflag:s10] =	ssyncset.done $0x0  }
0x143: {  	s6 =	sadd.s32 s7, s9;
	[sflag:s10] =	ssyncadd.s32 $0xFFFFF800  }
0x144: {  	[tilespmem:s11], [sflag:$0x5] =	stream.linear.gather [hbm4b:s6+s3], $0x800, $0x200038;
	[tilespmem:$0x1D000] =	vst v63  }
0x145: {  	_ =	swait.ge [sflag:s10], $0x800  }
0x146: {  	[sflag:s10] =	ssyncset.done $0x0  }
0x147: {  	[sflag:s10] =	ssyncadd.s32 $0xFFFFF800  }
0x148: {  	[tilespmem:s13], [sflag:$0x1] =	stream.indirect.gather [hbm4b:s4+s12], $0x80, s3, s12, $0x2000b8;
	[tilespmem:$0x1D000] =	vst v63  }
0x149: {  	_ = 	snop  }
0x14a: {  	[tilespmem:s14], [sflag:$0x2] =	stream.indirect.gather [hbm4b:s4+s12], $0x80, s12, s12, $0x2000b8;
	[tilespmem:$0x1D000] =	vst v63  }
0x14b: {  	_ =	swait.ge [sflag:s15], $0x4000  }
0x14c: {  	[sflag:s15] =	ssyncset.done $0x0  }
0x14d: {  	[sflag:s15] =	ssyncadd.s32 $0xFFFFC000  }
0x14e: {  	[spmem:s2] =	stream.indirect.scatter.add.f32 [tilespmem:s13], [sflag:$0x3], $0x80, s11, s12, $0x2000b8;
	[tilespmem:$0x1D000] =	vst v63  }
0x14f: {  	_ =	swait.ge [sflag:s16], $0x4000  }
0x150: {  	[sflag:s16] =	ssyncset.done $0x0  }
0x151: {  	s7 =	rddreg [dreg:$0x6];
	[sflag:s16] =	ssyncadd.s32 $0xFFFFC000  }
0x152: {  	[tilespmem:s13], [sflag:$0x1] =	stream.indirect.gather [hbm4b:s4+s12], $0x80, s7, s12, $0x2000b8;
	[tilespmem:$0x1D000] =	vst v63  }
0x153: {  	_ =	swait.ge [sflag:s17], $0x4000  }
0x154: {  	[sflag:s17] =	ssyncset.done $0x0  }
0x155: {  	s8 =	rddreg [dreg:$0x7];
	[sflag:s17] =	ssyncadd.s32 $0xFFFFC000  }
0x156: {  	[spmem:s2] =	stream.indirect.scatter.add.f32 [tilespmem:s14], [sflag:$0x4], $0x80, s8, s12, $0x2000b8;
	[tilespmem:$0x1D000] =	vst v63  }
0x157: {  	_ =	swait.ge [sflag:s18], $0x4000  }
0x158: {  	[sflag:s18] =	ssyncset.done $0x0  }
0x159: {  	s9 =	rddreg [dreg:$0x8];
	[sflag:s18] =	ssyncadd.s32 $0xFFFFC000  }
0x15a: {  	[tilespmem:s14], [sflag:$0x2] =	stream.indirect.gather [hbm4b:s4+s12], $0x80, s9, s12, $0x2000b8;
	[tilespmem:$0x1D000] =	vst v63  }
0x15b: {  	_ =	swait.ge [sflag:s15], $0x4000  }
0x15c: {  	[sflag:s15] =	ssyncset.done $0x0  }
0x15d: {  	s7 =	rddreg [dreg:$0x9];
	[sflag:s15] =	ssyncadd.s32 $0xFFFFC000  }
0x15e: {  	[spmem:s2] =	stream.indirect.scatter.add.f32 [tilespmem:s13], [sflag:$0x3], $0x80, s7, s12, $0x2000b8;
	[tilespmem:$0x1D000] =	vst v63  }
0x15f: {  	_ =	swait.ge [sflag:s16], $0x4000  }
0x160: {  	[sflag:s16] =	ssyncset.done $0x0  }
0x161: {  	s8 =	rddreg [dreg:$0xa];
	[sflag:s16] =	ssyncadd.s32 $0xFFFFC000  }
0x162: {  	[tilespmem:s13], [sflag:$0x1] =	stream.indirect.gather [hbm4b:s4+s12], $0x80, s8, s12, $0x2000b8;
	[tilespmem:$0x1D000] =	vst v63  }
0x163: {  	_ =	swait.ge [sflag:s17], $0x4000  }
0x164: {  	[sflag:s17] =	ssyncset.done $0x0  }
0x165: {  	s9 =	rddreg [dreg:$0xb];
	[sflag:s17] =	ssyncadd.s32 $0xFFFFC000  }
0x166: {  	[spmem:s2] =	stream.indirect.scatter.add.f32 [tilespmem:s14], [sflag:$0x4], $0x80, s9, s12, $0x2000b8;
	[tilespmem:$0x1D000] =	vst v63  }
0x167: {  	_ =	swait.ge [sflag:s18], $0x4000  }
0x168: {  	[sflag:s18] =	ssyncset.done $0x0  }
0x169: {  	s7 =	rddreg [dreg:$0xc];
	[sflag:s18] =	ssyncadd.s32 $0xFFFFC000  }
0x16a: {  	[tilespmem:s14], [sflag:$0x2] =	stream.indirect.gather [hbm4b:s4+s12], $0x80, s7, s12, $0x2000b8;
	[tilespmem:$0x1D000] =	vst v63  }
0x16b: {  	_ =	swait.ge [sflag:s15], $0x4000  }
0x16c: {  	[sflag:s15] =	ssyncset.done $0x0  }
0x16d: {  	s8 =	rddreg [dreg:$0xd];
	[sflag:s15] =	ssyncadd.s32 $0xFFFFC000  }
0x16e: {  	[spmem:s2] =	stream.indirect.scatter.add.f32 [tilespmem:s13], [sflag:$0x3], $0x80, s8, s12, $0x2000b8;
	[tilespmem:$0x1D000] =	vst v63  }
0x16f: {  	_ =	swait.ge [sflag:s16], $0x4000  }
0x170: {  	[sflag:s16] =	ssyncset.done $0x0  }
0x171: {  	s9 =	rddreg [dreg:$0xe];
	[sflag:s16] =	ssyncadd.s32 $0xFFFFC000  }
0x172: {  	[tilespmem:s13], [sflag:$0x1] =	stream.indirect.gather [hbm4b:s4+s12], $0x80, s9, s12, $0x2000b8;
	[tilespmem:$0x1D000] =	vst v63  }
0x173: {  	_ =	swait.ge [sflag:s17], $0x4000  }
0x174: {  	[sflag:s17] =	ssyncset.done $0x0  }
0x175: {  	s7 =	rddreg [dreg:$0xf];
	[sflag:s17] =	ssyncadd.s32 $0xFFFFC000  }
0x176: {  	[spmem:s2] =	stream.indirect.scatter.add.f32 [tilespmem:s14], [sflag:$0x4], $0x80, s7, s12, $0x2000b8;
	[tilespmem:$0x1D000] =	vst v63  }
0x177: {  	_ =	swait.ge [sflag:s18], $0x4000  }
0x178: {  	[sflag:s18] =	ssyncset.done $0x0  }
0x179: {  	s8 =	rddreg [dreg:$0x10];
	[sflag:s18] =	ssyncadd.s32 $0xFFFFC000  }
0x17a: {  	[tilespmem:s14], [sflag:$0x2] =	stream.indirect.gather [hbm4b:s4+s12], $0x80, s8, s12, $0x2000b8;
	[tilespmem:$0x1D000] =	vst v63  }
0x17b: {  	_ =	swait.ge [sflag:s15], $0x4000  }
0x17c: {  	[sflag:s15] =	ssyncset.done $0x0  }
0x17d: {  	s9 =	rddreg [dreg:$0x11];
	[sflag:s15] =	ssyncadd.s32 $0xFFFFC000  }
0x17e: {  	[spmem:s2] =	stream.indirect.scatter.add.f32 [tilespmem:s13], [sflag:$0x3], $0x80, s9, s12, $0x2000b8;
	[tilespmem:$0x1D000] =	vst v63  }
0x17f: {  	_ =	swait.ge [sflag:s16], $0x4000  }
0x180: {  	[sflag:s16] =	ssyncset.done $0x0  }
0x181: {  	s7 =	rddreg [dreg:$0x12];
	[sflag:s16] =	ssyncadd.s32 $0xFFFFC000  }
0x182: {  	[tilespmem:s13], [sflag:$0x1] =	stream.indirect.gather [hbm4b:s4+s12], $0x80, s7, s12, $0x2000b8;
	[tilespmem:$0x1D000] =	vst v63  }
0x183: {  	_ =	swait.ge [sflag:s17], $0x4000  }
0x184: {  	[sflag:s17] =	ssyncset.done $0x0  }
0x185: {  	s8 =	rddreg [dreg:$0x13];
	[sflag:s17] =	ssyncadd.s32 $0xFFFFC000  }
0x186: {  	[spmem:s2] =	stream.indirect.scatter.add.f32 [tilespmem:s14], [sflag:$0x4], $0x80, s8, s12, $0x2000b8;
	[tilespmem:$0x1D000] =	vst v63  }
0x187: {  	_ =	swait.ge [sflag:s18], $0x4000  }
0x188: {  	[sflag:s18] =	ssyncset.done $0x0  }
0x189: {  	[sflag:s18] =	ssyncadd.s32 $0xFFFFC000  }
0x18a: {  	[tilespmem:s14], [sflag:$0x2] =	stream.indirect.gather [hbm4b:s4+s12], $0x80, s19, s12, $0x2000b8;
	[tilespmem:$0x1D000] =	vst v63  }
0x18b: {  	_ =	swait.ge [sflag:s15], $0x4000  }
0x18c: {  	[sflag:s15] =	ssyncset.done $0x0  }
0x18d: {  	[sflag:s15] =	ssyncadd.s32 $0xFFFFC000  }
0x18e: {  	[spmem:s2] =	stream.indirect.scatter.add.f32 [tilespmem:s13], [sflag:$0x3], $0x80, s20, s12, $0x2000b8;
	[tilespmem:$0x1D000] =	vst v63  }
0x18f: {  	_ =	swait.ge [sflag:s16], $0x4000  }
0x190: {  	[sflag:s16] =	ssyncset.done $0x0  }
0x191: {  	[sflag:s16] =	ssyncadd.s32 $0xFFFFC000  }
0x192: {  	[tilespmem:s13], [sflag:$0x1] =	stream.indirect.gather [hbm4b:s4+s12], $0x80, s21, s12, $0x2000b8;
	[tilespmem:$0x1D000] =	vst v63  }
0x193: {  	_ =	swait.ge [sflag:s17], $0x4000  }
0x194: {  	[sflag:s17] =	ssyncset.done $0x0  }
0x195: {  	[sflag:s17] =	ssyncadd.s32 $0xFFFFC000  }
0x196: {  	[spmem:s2] =	stream.indirect.scatter.add.f32 [tilespmem:s14], [sflag:$0x4], $0x80, s22, s12, $0x2000b8;
	[tilespmem:$0x1D000] =	vst v63  }
0x197: {  	_ =	swait.ge [sflag:s18], $0x4000  }
0x198: {  	[sflag:s18] =	ssyncset.done $0x0  }
0x199: {  	[sflag:s18] =	ssyncadd.s32 $0xFFFFC000  }
0x19a: {  	[tilespmem:s14], [sflag:$0x2] =	stream.indirect.gather [hbm4b:s4+s12], $0x80, s23, s12, $0x2000b8;
	[tilespmem:$0x1D000] =	vst v63  }
0x19b: {  	_ =	swait.ge [sflag:s15], $0x4000  }
0x19c: {  	[sflag:s15] =	ssyncset.done $0x0  }
0x19d: {  	[sflag:s15] =	ssyncadd.s32 $0xFFFFC000  }
0x19e: {  	[spmem:s2] =	stream.indirect.scatter.add.f32 [tilespmem:s13], [sflag:$0x3], $0x80, s24, s12, $0x2000b8;
	[tilespmem:$0x1D000] =	vst v63  }
0x19f: {  	_ =	swait.ge [sflag:s16], $0x4000  }
0x1a0: {  	[sflag:s16] =	ssyncset.done $0x0  }
0x1a1: {  	[sflag:s16] =	ssyncadd.s32 $0xFFFFC000  }
0x1a2: {  	[tilespmem:s13], [sflag:$0x1] =	stream.indirect.gather [hbm4b:s4+s12], $0x80, s25, s12, $0x2000b8;
	[tilespmem:$0x1D000] =	vst v63  }
0x1a3: {  	_ =	swait.ge [sflag:s17], $0x4000  }
0x1a4: {  	[sflag:s17] =	ssyncset.done $0x0  }
0x1a5: {  	[sflag:s17] =	ssyncadd.s32 $0xFFFFC000  }
0x1a6: {  	[spmem:s2] =	stream.indirect.scatter.add.f32 [tilespmem:s14], [sflag:$0x4], $0x80, s26, s12, $0x2000b8;
	[tilespmem:$0x1D000] =	vst v63  }
0x1a7: {  	_ =	swait.ge [sflag:s18], $0x4000  }
0x1a8: {  	[sflag:s18] =	ssyncset.done $0x0  }
0x1a9: {  	[sflag:s18] =	ssyncadd.s32 $0xFFFFC000  }
0x1aa: {  	[tilespmem:s14], [sflag:$0x2] =	stream.indirect.gather [hbm4b:s4+s12], $0x80, s28, s12, $0x2000b8;
	[tilespmem:$0x1D000] =	vst v63  }
0x1ab: {  	_ =	swait.ge [sflag:s15], $0x4000  }
0x1ac: {  	[sflag:s15] =	ssyncset.done $0x0  }
0x1ad: {  	[sflag:s15] =	ssyncadd.s32 $0xFFFFC000  }
0x1ae: {  	[spmem:s2] =	stream.indirect.scatter.add.f32 [tilespmem:s13], [sflag:$0x3], $0x80, s29, s12, $0x2000b8;
	[tilespmem:$0x1D000] =	vst v63  }
0x1af: {  	_ =	swait.ge [sflag:s16], $0x4000  }
0x1b0: {  	[sflag:s16] =	ssyncset.done $0x0  }
0x1b1: {  	[sflag:s16] =	ssyncadd.s32 $0xFFFFC000  }
0x1b2: {  	[tilespmem:s13], [sflag:$0x1] =	stream.indirect.gather [hbm4b:s4+s12], $0x80, s30, s12, $0x2000b8;
	[tilespmem:$0x1D000] =	vst v63  }
0x1b3: {  	_ =	swait.ge [sflag:s17], $0x4000  }
0x1b4: {  	[sflag:s17] =	ssyncset.done $0x0  }
0x1b5: {  	[sflag:s17] =	ssyncadd.s32 $0xFFFFC000  }
0x1b6: {  	[spmem:s2] =	stream.indirect.scatter.add.f32 [tilespmem:s14], [sflag:$0x4], $0x80, s31, s12, $0x2000b8;
	[tilespmem:$0x1D000] =	vst v63  }
0x1b7: {  	_ =	swait.ge [sflag:s18], $0x4000  }
0x1b8: {  	[sflag:s18] =	ssyncset.done $0x0  }
0x1b9: {  	[sflag:s18] =	ssyncadd.s32 $0xFFFFC000  }
0x1ba: {  	[tilespmem:s14], [sflag:$0x2] =	stream.indirect.gather [hbm4b:s4+s12], $0x80, s1, s12, $0x2000b8;
	[tilespmem:$0x1D000] =	vst v63  }
0x1bb: {  	_ =	swait.ge [sflag:s15], $0x4000  }
0x1bc: {  	[sflag:s15] =	ssyncset.done $0x0  }
0x1bd: {  	[sflag:s15] =	ssyncadd.s32 $0xFFFFC000  }
0x1be: {  	[spmem:s2] =	stream.indirect.scatter.add.f32 [tilespmem:s13], [sflag:$0x3], $0x80, s0, s12, $0x2000b8;
	[tilespmem:$0x1D000] =	vst v63  }
0x1bf: {  	_ =	swait.ge [sflag:s17], $0x4000  }
0x1c0: {  	[sflag:s17] =	ssyncset.done $0x0  }
0x1c1: {  	[sflag:s17] =	ssyncadd.s32 $0xFFFFC000  }
0x1c2: {  	[spmem:s2] =	stream.indirect.scatter.add.f32 [tilespmem:s14], [sflag:$0x4], $0x80, s5, s12, $0x2000b8;
	[tilespmem:$0x1D000] =	vst v63  }
0x1c3: {  	_ =	swait.ge [sflag:s16], $0x4000  }
0x1c4: {  	[sflag:s16] =	ssyncset.done $0x0  }
0x1c5: {  	[sflag:s16] =	ssyncadd.s32 $0xFFFFC000  }
0x1c6: {  	_ =	swait.ge [sflag:s18], $0x4000  }
0x1c7: {  	[sflag:s18] =	ssyncset.done $0x0  }
0x1c8: {  	[sflag:s18] =	ssyncadd.s32 $0xFFFFC000  }
0x1c9: {  	_ =	strace $0x9000004C  }
0x1ca: {  	_ =	strace $0x8000004D  }
0x1cb: {  	[bflag:$0x0] =	sbarrier.arrive $0xFFFF  }
0x1cc: {  	s9 =	rddreg [dreg:$0x15]  }
0x1cd: {  	s7 =	rddreg [dreg:$0x17]  }
0x1ce: {  	s8 =	rddreg [dreg:$0x18]  }
0x1cf: {  	[hbm:s9], [sflag:s7] =	dma.local [spmem:s8], $0x2800  }
0x1d0: {  	_ =	swait.ge [sflag:s10], $0x2800  }
0x1d1: {  	s6 =	rddreg [dreg:$0x19]  }
0x1d2: {  	s9 =	sadd.s32 $0x1, s6;
	s6 =	rddreg [dreg:$0x16]  }
0x1d3: {  	p0 =	sne.s32 s9, s6  }
.Ltmp1:
0x1d4: {  	_ = 	snop;
	(pc) =	sbr.rel @p0 .LBB2_1-.Ltmp1, $4  }
0x1d5: {  	_ = 	snop  }
0x1d6: {  	[sflag:s10] =	ssyncset.done $0x0  }
0x1d7: {  	[sflag:s10] =	ssyncadd.s32 $0xFFFFD800  }
0x1d8: {  	_ =	strace $0x9000004D  }
0x1d9: {  	_ =	sfence.sel $0x180000  }
0x1da: {  	[bflag:$0x0] =	sbarrier.arrive $0xFFFF  }
0x1db: {  	_ =	strace $0x9000004A  }
0x1dc: {  	s0 =	stileid.u32;
	[bflag:$0x2] =	sbarrier.arrive $0xFFFF  }
0x1dd: {  	p0 =	sne.s32 s0, $0x0;
	s0 =	rddreg [dreg:$0x3]  }
0x1de: {  	s0 =	sadd.s32 @!p0 $0x100000, s0  }
0x1df: {  	[sflag:s0] =	ssyncadd.tile.s32 @!p0 $0x1;
	_ =	shalt  }
.Lfunc_end2:
_tile_overlayer_lowered:
.L_overlay_start_2:
0x1e0: {  	(tag) =	ssettag $0x2  }
0x1e1: {  	s0 =	rddreg [dreg:$0x0];
	s2 =	stileid.u32  }
0x1e2: {  	s1 =	rddreg [dreg:$0x1];
	p0 =	sne.s32 s2, $0x0  }
0x1e3: {  	s3 =	rddreg [dreg:$0x2];
	[bflag:$0x3] =	sbarrier.arrive $0xFFFF;
	s2 =	simm.s32 @!p0 $0x1C05  }
0x1e4: {  	[timem:s3], [sflag:s2] =	dma.local @!p0 [hbm:s0], s1  }
0x1e5: {  	s0 =	simm.s32 @!p0 $0x5  }
0x1e6: {  	_ =	swait.ge @!p0 [sflag:s0], s1  }
0x1e7: {  	s1 =	ssub.s32 @!p0 $0x0, s1;
	[sflag:s0] =	ssyncset.done @!p0 $0x0  }
0x1e8: {  	[sflag:s0] =	ssyncadd.s32 @!p0 s1  }
0x1e9: {  	[bflag:$0x3] =	sbarrier.arrive $0xFFFF  }
0x1ea: {  	_ =	shalt  }

</sc_bundles>
